<compile_context>
chip_gen: v7x
topology: tpu7x:2x2x1
jax: 0.10.2.dev20260603
libtpu: 0.0.44.dev20260713+nightly
codegen_flags: <defaults>
</compile_context>

<pallas_src>
import functools

import jax
import jax.numpy as jnp
from jax import lax
from jax.experimental import pallas as pl
from jax.experimental.pallas import tpu as pltpu
from jax.experimental.pallas import tpu_sc as plsc

VOCAB = 100000
EMBED = 128
BATCH = 4096
SEQ = 20
NUM_CORES = 2
NUM_SUBCORES = 16
NW = NUM_CORES * NUM_SUBCORES
B_PER_W = BATCH // NW
SLAB = SEQ * B_PER_W


def _make_kernel():
    mesh = plsc.VectorSubcoreMesh(core_axis_name="c", subcore_axis_name="s")

    @functools.partial(
        pl.kernel,
        mesh=mesh,
        out_type=(
            jax.ShapeDtypeStruct((SEQ, BATCH, EMBED), jnp.float32),
            jax.ShapeDtypeStruct((SEQ, BATCH, EMBED), jnp.float32),
        ),
        scratch_types=[
            pltpu.VMEM((SLAB,), jnp.int32),
            pltpu.VMEM((SLAB,), jnp.int32),
            pltpu.VMEM((B_PER_W, EMBED), jnp.float32),
            pltpu.VMEM((B_PER_W, EMBED), jnp.float32),
            pltpu.VMEM((B_PER_W, EMBED), jnp.float32),
            pltpu.VMEM((B_PER_W, EMBED), jnp.float32),
            pltpu.VMEM((B_PER_W, EMBED), jnp.float32),
            pltpu.VMEM((B_PER_W, EMBED), jnp.float32),
            pltpu.SemaphoreType.DMA,
            pltpu.SemaphoreType.DMA,
            pltpu.SemaphoreType.DMA,
            pltpu.SemaphoreType.DMA,
        ],
    )
    def k(wtab, ctab, widx, cidx, wout, cout,
          idxw_v, idxc_v, bw0, bw1, bw2, bc0, bc1, bc2, gw, gc, sw, sc):
        wid = lax.axis_index("s") * NUM_CORES + lax.axis_index("c")
        b0 = pl.multiple_of(wid * B_PER_W, B_PER_W)
        bufw = (bw0, bw1, bw2)
        bufc = (bc0, bc1, bc2)
        sem_of = {id(bw0): sw, id(bw1): sw, id(bw2): sw,
                  id(bc0): sc, id(bc1): sc, id(bc2): sc}

        i0 = pl.multiple_of(wid * SLAB, SLAB)
        pltpu.async_copy(widx.at[pl.ds(i0, SLAB)], idxw_v, gw)
        pltpu.async_copy(cidx.at[pl.ds(i0, SLAB)], idxc_v, gc)
        pltpu.make_async_copy(widx.at[pl.ds(i0, SLAB)], idxw_v, gw).wait()
        pltpu.make_async_copy(cidx.at[pl.ds(i0, SLAB)], idxc_v, gc).wait()

        def iw(j):
            return idxw_v.at[pl.ds(pl.multiple_of(j * B_PER_W, B_PER_W), B_PER_W)]

        def ic(j):
            return idxc_v.at[pl.ds(pl.multiple_of(j * B_PER_W, B_PER_W), B_PER_W)]

        def store(buf, out, j):
            pltpu.async_copy(buf, out.at[j, pl.ds(b0, B_PER_W)], sem_of[id(buf)])

        def drain(buf, out, j):
            pltpu.make_async_copy(buf, out.at[j, pl.ds(b0, B_PER_W)],
                                  sem_of[id(buf)]).wait()

        def gather(j, bi):
            pltpu.async_copy(wtab.at[iw(j)], bufw[bi], gw)
            pltpu.async_copy(ctab.at[ic(j)], bufc[bi], gc)

        def gwait_store(j, bi):
            pltpu.make_async_copy(wtab.at[iw(j)], bufw[bi], gw).wait()
            store(bufw[bi], wout, j)
            pltpu.make_async_copy(ctab.at[ic(j)], bufc[bi], gc).wait()
            store(bufc[bi], cout, j)

        def sdrain(j, bi):
            drain(bufw[bi], wout, j)
            drain(bufc[bi], cout, j)

        gather(0, 0)
        gather(1, 1)
        gather(2, 2)
        gwait_store(0, 0)

        def body(jj, carry):
            for d in range(3):
                j = 3 * jj + 1 + d
                sdrain(j - 1, d % 3)
                gather(j + 2, d % 3)
                gwait_store(j, (1 + d) % 3)
            return carry

        lax.fori_loop(0, 5, body, 0)

        sdrain(15, 0)
        gather(18, 0)
        gwait_store(16, 1)
        sdrain(16, 1)
        gather(19, 1)
        gwait_store(17, 2)
        sdrain(17, 2)
        gwait_store(18, 0)
        sdrain(18, 0)
        gwait_store(19, 1)
        sdrain(19, 1)

    return k


_sc_gather = _make_kernel()


def _rearrange(idx):
    return (idx.astype(jnp.int32)
            .reshape(NW, B_PER_W, SEQ)
            .transpose(0, 2, 1)
            .reshape(NW * SLAB))


@jax.jit
def kernel(words, contexts, word_table, context_table):
    widx = _rearrange(words)
    cidx = _rearrange(contexts)
    w_t, c_t = _sc_gather(word_table, context_table, widx, cidx)
    return (w_t.transpose(1, 0, 2), c_t.transpose(1, 0, 2))

# --- scband reference (transcript-rebuilt; emitter-appended) ---
"""Pipeline reference for scband-skip-gram-nslm-37941741093376 (READ-ONLY COPY).

The authoritative reference and input builder live on the scoring server;
editing this copy changes nothing except your own understanding.
"""

import jax, jax.numpy as jnp
import numpy as np

VOCAB = 100000
EMBED = 128
B = 4096
L = 20

def setup_inputs(seed: int = 0) -> dict:
    key = jax.random.key(seed)
    k1, k2, k3, k4 = jax.random.split(key, 4)
    words = jax.random.randint(k1, (B, L), 0, VOCAB, dtype=jnp.int64 if jax.config.jax_enable_x64 else jnp.int32)
    contexts = jax.random.randint(k2, (B, L), 0, VOCAB, dtype=jnp.int64 if jax.config.jax_enable_x64 else jnp.int32)
    word_table = jax.random.normal(k3, (VOCAB, EMBED), dtype=jnp.float32)
    context_table = jax.random.normal(k4, (VOCAB, EMBED), dtype=jnp.float32)
    return {"words": words, "contexts": contexts, "word_table": word_table, "context_table": context_table}

def reference(words, contexts, word_table, context_table):
    # forward_w: word embedding lookup
    w_emb = jnp.take(word_table, words, axis=0)
    # forward_c: context embedding lookup
    c_emb = jnp.take(context_table, contexts, axis=0)
    return (w_emb, c_emb)

if __name__ == "__main__":
    import jax
    _d = setup_inputs()
    print(jax.jit(kernel)(*tuple(_d.values())))

</pallas_src>

<mosaic_0001>
#map = affine_map<(d0, d1) -> (0, 0)>
#map1 = affine_map<(d0, d1) -> (0)>
#map2 = affine_map<(d0, d1) -> (0, 0, 0)>
module attributes {stable_mosaic.version = 14 : i64} {
  func.func @k(%arg0: i32, %arg1: i32, %arg2: memref<100000x128xf32, #tpu.memory_space<hbm>>, %arg3: memref<100000x128xf32, #tpu.memory_space<hbm>>, %arg4: memref<81920xi32, #tpu.memory_space<hbm>>, %arg5: memref<81920xi32, #tpu.memory_space<hbm>>, %arg6: memref<20x4096x128xf32, #tpu.memory_space<hbm>>, %arg7: memref<20x4096x128xf32, #tpu.memory_space<hbm>>, %arg8: memref<2560xi32, #tpu.memory_space<vmem>>, %arg9: memref<2560xi32, #tpu.memory_space<vmem>>, %arg10: memref<128x128xf32, #tpu.memory_space<vmem>>, %arg11: memref<128x128xf32, #tpu.memory_space<vmem>>, %arg12: memref<128x128xf32, #tpu.memory_space<vmem>>, %arg13: memref<128x128xf32, #tpu.memory_space<vmem>>, %arg14: memref<128x128xf32, #tpu.memory_space<vmem>>, %arg15: memref<128x128xf32, #tpu.memory_space<vmem>>, %arg16: memref<!tpu.dma_semaphore, #tpu.memory_space<semaphore_mem>>, %arg17: memref<!tpu.dma_semaphore, #tpu.memory_space<semaphore_mem>>, %arg18: memref<!tpu.dma_semaphore, #tpu.memory_space<semaphore_mem>>, %arg19: memref<!tpu.dma_semaphore, #tpu.memory_space<semaphore_mem>>) attributes {dimension_semantics = [#tpu.dimension_semantics<core_parallel>, #tpu.dimension_semantics<subcore_parallel>], iteration_bounds = array<i64: 2, 16>, scalar_prefetch = 0 : i64, scratch_operands = 12 : i64, tpu.core_type = #tpu.core_type<sc_vector_subcore>, window_params = [{transform_indices = #map}, {transform_indices = #map}, {transform_indices = #map1}, {transform_indices = #map1}, {transform_indices = #map2}, {transform_indices = #map2}]} {
    %mul3A = arith.constant 2 : i32
    %mul3A_0 = arith.muli %arg1, %mul3A : i32
    %add3A = arith.addi %mul3A_0, %arg0 : i32
    %mul3A_1 = arith.constant 128 : i32
    %mul3A_2 = arith.muli %add3A, %mul3A_1 : i32
    %multiple_of3A = tpu.assume_multiple %mul3A_2, 128 : i32
    %mul3A_3 = arith.constant 2560 : i32
    %mul3A_4 = arith.muli %add3A, %mul3A_3 : i32
    %multiple_of3A_5 = tpu.assume_multiple %mul3A_4, 2560 : i32
    %dma_start3A = tpu.memref_slice %arg4[%multiple_of3A_5] : memref<81920xi32, #tpu.memory_space<hbm>> -> memref<2560xi32, #tpu.memory_space<hbm>>
    %dma_start3A_6 = tpu.memref_slice %arg4[%multiple_of3A_5] : memref<81920xi32, #tpu.memory_space<hbm>> -> memref<2560xi32, #tpu.memory_space<hbm>>
    tpu.enqueue_dma source(%dma_start3A_6 : memref<2560xi32, #tpu.memory_space<hbm>>) target(%arg8 : memref<2560xi32, #tpu.memory_space<vmem>>) target_semaphore(%arg16 : memref<!tpu.dma_semaphore, #tpu.memory_space<semaphore_mem>>)
    %dma_start3A_7 = tpu.memref_slice %arg5[%multiple_of3A_5] : memref<81920xi32, #tpu.memory_space<hbm>> -> memref<2560xi32, #tpu.memory_space<hbm>>
    %dma_start3A_8 = tpu.memref_slice %arg5[%multiple_of3A_5] : memref<81920xi32, #tpu.memory_space<hbm>> -> memref<2560xi32, #tpu.memory_space<hbm>>
    tpu.enqueue_dma source(%dma_start3A_8 : memref<2560xi32, #tpu.memory_space<hbm>>) target(%arg9 : memref<2560xi32, #tpu.memory_space<vmem>>) target_semaphore(%arg17 : memref<!tpu.dma_semaphore, #tpu.memory_space<semaphore_mem>>)
    %dma_wait3A = tpu.memref_slice %arg4[%multiple_of3A_5] : memref<81920xi32, #tpu.memory_space<hbm>> -> memref<2560xi32, #tpu.memory_space<hbm>>
    %dma_wait3A_9 = tpu.memref_slice %arg4[%multiple_of3A_5] : memref<81920xi32, #tpu.memory_space<hbm>> -> memref<2560xi32, #tpu.memory_space<hbm>>
    tpu.wait_dma2 semaphore(%arg16 : memref<!tpu.dma_semaphore, #tpu.memory_space<semaphore_mem>>) src(%dma_wait3A_9 : memref<2560xi32, #tpu.memory_space<hbm>>) dst(%arg8 : memref<2560xi32, #tpu.memory_space<vmem>>)
    %dma_wait3A_10 = tpu.memref_slice %arg5[%multiple_of3A_5] : memref<81920xi32, #tpu.memory_space<hbm>> -> memref<2560xi32, #tpu.memory_space<hbm>>
    %dma_wait3A_11 = tpu.memref_slice %arg5[%multiple_of3A_5] : memref<81920xi32, #tpu.memory_space<hbm>> -> memref<2560xi32, #tpu.memory_space<hbm>>
    tpu.wait_dma2 semaphore(%arg17 : memref<!tpu.dma_semaphore, #tpu.memory_space<semaphore_mem>>) src(%dma_wait3A_11 : memref<2560xi32, #tpu.memory_space<hbm>>) dst(%arg9 : memref<2560xi32, #tpu.memory_space<vmem>>)
    %multiple_of3A_12 = arith.constant 0 : i32
    %multiple_of3A_13 = tpu.assume_multiple %multiple_of3A_12, 128 : i32
    %dma_start3A_14 = tpu.memref_slice %arg8[%multiple_of3A_13] : memref<2560xi32, #tpu.memory_space<vmem>> -> memref<128xi32, #tpu.memory_space<vmem>>
    %dma_start3A_15 = arith.constant 0 : i32
    %dma_start3A_16 = arith.constant 0 : i32
    %dma_start3A_17 = tpu.memref_slice %arg2[%dma_start3A_15, %dma_start3A_16] : memref<100000x128xf32, #tpu.memory_space<hbm>> -> memref<100000x128xf32, #tpu.memory_space<hbm>>
    tpu.enqueue_indirect_dma source(%dma_start3A_17 : memref<100000x128xf32, #tpu.memory_space<hbm>>) target(%arg10 : memref<128x128xf32, #tpu.memory_space<vmem>>) offsets(%dma_start3A_14 : memref<128xi32, #tpu.memory_space<vmem>>) semaphore(%arg16 : memref<!tpu.dma_semaphore, #tpu.memory_space<semaphore_mem>>)
    %multiple_of3A_18 = arith.constant 0 : i32
    %multiple_of3A_19 = tpu.assume_multiple %multiple_of3A_18, 128 : i32
    %dma_start3A_20 = tpu.memref_slice %arg9[%multiple_of3A_19] : memref<2560xi32, #tpu.memory_space<vmem>> -> memref<128xi32, #tpu.memory_space<vmem>>
    %dma_start3A_21 = arith.constant 0 : i32
    %dma_start3A_22 = arith.constant 0 : i32
    %dma_start3A_23 = tpu.memref_slice %arg3[%dma_start3A_21, %dma_start3A_22] : memref<100000x128xf32, #tpu.memory_space<hbm>> -> memref<100000x128xf32, #tpu.memory_space<hbm>>
    tpu.enqueue_indirect_dma source(%dma_start3A_23 : memref<100000x128xf32, #tpu.memory_space<hbm>>) target(%arg13 : memref<128x128xf32, #tpu.memory_space<vmem>>) offsets(%dma_start3A_20 : memref<128xi32, #tpu.memory_space<vmem>>) semaphore(%arg17 : memref<!tpu.dma_semaphore, #tpu.memory_space<semaphore_mem>>)
    %multiple_of3A_24 = arith.constant 128 : i32
    %multiple_of3A_25 = tpu.assume_multiple %multiple_of3A_24, 128 : i32
    %dma_start3A_26 = tpu.memref_slice %arg8[%multiple_of3A_25] : memref<2560xi32, #tpu.memory_space<vmem>> -> memref<128xi32, #tpu.memory_space<vmem>>
    %dma_start3A_27 = arith.constant 0 : i32
    %dma_start3A_28 = arith.constant 0 : i32
    %dma_start3A_29 = tpu.memref_slice %arg2[%dma_start3A_27, %dma_start3A_28] : memref<100000x128xf32, #tpu.memory_space<hbm>> -> memref<100000x128xf32, #tpu.memory_space<hbm>>
    tpu.enqueue_indirect_dma source(%dma_start3A_29 : memref<100000x128xf32, #tpu.memory_space<hbm>>) target(%arg11 : memref<128x128xf32, #tpu.memory_space<vmem>>) offsets(%dma_start3A_26 : memref<128xi32, #tpu.memory_space<vmem>>) semaphore(%arg16 : memref<!tpu.dma_semaphore, #tpu.memory_space<semaphore_mem>>)
    %multiple_of3A_30 = arith.constant 128 : i32
    %multiple_of3A_31 = tpu.assume_multiple %multiple_of3A_30, 128 : i32
    %dma_start3A_32 = tpu.memref_slice %arg9[%multiple_of3A_31] : memref<2560xi32, #tpu.memory_space<vmem>> -> memref<128xi32, #tpu.memory_space<vmem>>
    %dma_start3A_33 = arith.constant 0 : i32
    %dma_start3A_34 = arith.constant 0 : i32
    %dma_start3A_35 = tpu.memref_slice %arg3[%dma_start3A_33, %dma_start3A_34] : memref<100000x128xf32, #tpu.memory_space<hbm>> -> memref<100000x128xf32, #tpu.memory_space<hbm>>
    tpu.enqueue_indirect_dma source(%dma_start3A_35 : memref<100000x128xf32, #tpu.memory_space<hbm>>) target(%arg14 : memref<128x128xf32, #tpu.memory_space<vmem>>) offsets(%dma_start3A_32 : memref<128xi32, #tpu.memory_space<vmem>>) semaphore(%arg17 : memref<!tpu.dma_semaphore, #tpu.memory_space<semaphore_mem>>)
    %multiple_of3A_36 = arith.constant 256 : i32
    %multiple_of3A_37 = tpu.assume_multiple %multiple_of3A_36, 128 : i32
    %dma_start3A_38 = tpu.memref_slice %arg8[%multiple_of3A_37] : memref<2560xi32, #tpu.memory_space<vmem>> -> memref<128xi32, #tpu.memory_space<vmem>>
    %dma_start3A_39 = arith.constant 0 : i32
    %dma_start3A_40 = arith.constant 0 : i32
    %dma_start3A_41 = tpu.memref_slice %arg2[%dma_start3A_39, %dma_start3A_40] : memref<100000x128xf32, #tpu.memory_space<hbm>> -> memref<100000x128xf32, #tpu.memory_space<hbm>>
    tpu.enqueue_indirect_dma source(%dma_start3A_41 : memref<100000x128xf32, #tpu.memory_space<hbm>>) target(%arg12 : memref<128x128xf32, #tpu.memory_space<vmem>>) offsets(%dma_start3A_38 : memref<128xi32, #tpu.memory_space<vmem>>) semaphore(%arg16 : memref<!tpu.dma_semaphore, #tpu.memory_space<semaphore_mem>>)
    %multiple_of3A_42 = arith.constant 256 : i32
    %multiple_of3A_43 = tpu.assume_multiple %multiple_of3A_42, 128 : i32
    %dma_start3A_44 = tpu.memref_slice %arg9[%multiple_of3A_43] : memref<2560xi32, #tpu.memory_space<vmem>> -> memref<128xi32, #tpu.memory_space<vmem>>
    %dma_start3A_45 = arith.constant 0 : i32
    %dma_start3A_46 = arith.constant 0 : i32
    %dma_start3A_47 = tpu.memref_slice %arg3[%dma_start3A_45, %dma_start3A_46] : memref<100000x128xf32, #tpu.memory_space<hbm>> -> memref<100000x128xf32, #tpu.memory_space<hbm>>
    tpu.enqueue_indirect_dma source(%dma_start3A_47 : memref<100000x128xf32, #tpu.memory_space<hbm>>) target(%arg15 : memref<128x128xf32, #tpu.memory_space<vmem>>) offsets(%dma_start3A_44 : memref<128xi32, #tpu.memory_space<vmem>>) semaphore(%arg17 : memref<!tpu.dma_semaphore, #tpu.memory_space<semaphore_mem>>)
    %multiple_of3A_48 = arith.constant 0 : i32
    %multiple_of3A_49 = tpu.assume_multiple %multiple_of3A_48, 128 : i32
    %dma_wait3A_50 = tpu.memref_slice %arg8[%multiple_of3A_49] : memref<2560xi32, #tpu.memory_space<vmem>> -> memref<128xi32, #tpu.memory_space<vmem>>
    %dma_wait3A_51 = arith.constant 0 : i32
    %dma_wait3A_52 = arith.constant 0 : i32
    %dma_wait3A_53 = tpu.memref_slice %arg2[%dma_wait3A_51, %dma_wait3A_52] : memref<100000x128xf32, #tpu.memory_space<hbm>> -> memref<100000x128xf32, #tpu.memory_space<hbm>>
    tpu.wait_indirect_dma semaphore(%arg16 : memref<!tpu.dma_semaphore, #tpu.memory_space<semaphore_mem>>) src(%dma_wait3A_53 : memref<100000x128xf32, #tpu.memory_space<hbm>>) dst(%arg10 : memref<128x128xf32, #tpu.memory_space<vmem>>)
    %dma_start3A_54 = arith.constant 0 : i32
    %dma_start3A_55 = arith.constant 0 : i32
    %dma_start3A_56 = tpu.memref_slice %arg6[%dma_start3A_54, %multiple_of3A, %dma_start3A_55] : memref<20x4096x128xf32, #tpu.memory_space<hbm>> -> memref<1x128x128xf32, #tpu.memory_space<hbm>>
    %dma_start3A_57 = tpu.memref_squeeze %dma_start3A_56 : memref<1x128x128xf32, #tpu.memory_space<hbm>> -> memref<128x128xf32, #tpu.memory_space<hbm>>
    %dma_start3A_58 = arith.constant 0 : i32
    %dma_start3A_59 = tpu.memref_slice %arg6[%dma_start3A_54, %multiple_of3A, %dma_start3A_58] : memref<20x4096x128xf32, #tpu.memory_space<hbm>> -> memref<1x128x128xf32, #tpu.memory_space<hbm>>
    %dma_start3A_60 = tpu.memref_squeeze %dma_start3A_59 : memref<1x128x128xf32, #tpu.memory_space<hbm>> -> memref<128x128xf32, #tpu.memory_space<hbm>>
    tpu.enqueue_dma source(%arg10 : memref<128x128xf32, #tpu.memory_space<vmem>>) target(%dma_start3A_60 : memref<128x128xf32, #tpu.memory_space<hbm>>) target_semaphore(%arg18 : memref<!tpu.dma_semaphore, #tpu.memory_space<semaphore_mem>>)
    %multiple_of3A_61 = arith.constant 0 : i32
    %multiple_of3A_62 = tpu.assume_multiple %multiple_of3A_61, 128 : i32
    %dma_wait3A_63 = tpu.memref_slice %arg9[%multiple_of3A_62] : memref<2560xi32, #tpu.memory_space<vmem>> -> memref<128xi32, #tpu.memory_space<vmem>>
    %dma_wait3A_64 = arith.constant 0 : i32
    %dma_wait3A_65 = arith.constant 0 : i32
    %dma_wait3A_66 = tpu.memref_slice %arg3[%dma_wait3A_64, %dma_wait3A_65] : memref<100000x128xf32, #tpu.memory_space<hbm>> -> memref<100000x128xf32, #tpu.memory_space<hbm>>
    tpu.wait_indirect_dma semaphore(%arg17 : memref<!tpu.dma_semaphore, #tpu.memory_space<semaphore_mem>>) src(%dma_wait3A_66 : memref<100000x128xf32, #tpu.memory_space<hbm>>) dst(%arg13 : memref<128x128xf32, #tpu.memory_space<vmem>>)
    %dma_start3A_67 = arith.constant 0 : i32
    %dma_start3A_68 = arith.constant 0 : i32
    %dma_start3A_69 = tpu.memref_slice %arg7[%dma_start3A_67, %multiple_of3A, %dma_start3A_68] : memref<20x4096x128xf32, #tpu.memory_space<hbm>> -> memref<1x128x128xf32, #tpu.memory_space<hbm>>
    %dma_start3A_70 = tpu.memref_squeeze %dma_start3A_69 : memref<1x128x128xf32, #tpu.memory_space<hbm>> -> memref<128x128xf32, #tpu.memory_space<hbm>>
    %dma_start3A_71 = arith.constant 0 : i32
    %dma_start3A_72 = tpu.memref_slice %arg7[%dma_start3A_67, %multiple_of3A, %dma_start3A_71] : memref<20x4096x128xf32, #tpu.memory_space<hbm>> -> memref<1x128x128xf32, #tpu.memory_space<hbm>>
    %dma_start3A_73 = tpu.memref_squeeze %dma_start3A_72 : memref<1x128x128xf32, #tpu.memory_space<hbm>> -> memref<128x128xf32, #tpu.memory_space<hbm>>
    tpu.enqueue_dma source(%arg13 : memref<128x128xf32, #tpu.memory_space<vmem>>) target(%dma_start3A_73 : memref<128x128xf32, #tpu.memory_space<hbm>>) target_semaphore(%arg19 : memref<!tpu.dma_semaphore, #tpu.memory_space<semaphore_mem>>)
    %scan3A = arith.constant 0 : i32
    %scan3A_74 = arith.constant 0 : i32
    %scan3A_75 = arith.constant 5 : i32
    %scan3A_76 = arith.addi %scan3A_74, %scan3A_75 : i32
    %scan3A_77 = arith.constant 1 : i32
    scf.for %scan3A_277 = %scan3A_74 to %scan3A_76 step %scan3A_77  : i32 {
      %mul3A_278 = arith.constant 3 : i32
      %mul3A_279 = arith.muli %mul3A_278, %scan3A_277 : i32
      %add3A_280 = arith.constant 1 : i32
      %add3A_281 = arith.addi %mul3A_279, %add3A_280 : i32
      %add3A_282 = arith.constant 0 : i32
      %add3A_283 = arith.addi %add3A_281, %add3A_282 : i32
      %sub3A = arith.constant 1 : i32
      %sub3A_284 = arith.subi %add3A_283, %sub3A : i32
      %dma_wait3A_285 = arith.constant 0 : i32
      %dma_wait3A_286 = tpu.memref_slice %arg6[%sub3A_284, %multiple_of3A, %dma_wait3A_285] : memref<20x4096x128xf32, #tpu.memory_space<hbm>> -> memref<1x128x128xf32, #tpu.memory_space<hbm>>
      %dma_wait3A_287 = tpu.memref_squeeze %dma_wait3A_286 : memref<1x128x128xf32, #tpu.memory_space<hbm>> -> memref<128x128xf32, #tpu.memory_space<hbm>>
      %dma_wait3A_288 = arith.constant 0 : i32
      %dma_wait3A_289 = tpu.memref_slice %arg6[%sub3A_284, %multiple_of3A, %dma_wait3A_288] : memref<20x4096x128xf32, #tpu.memory_space<hbm>> -> memref<1x128x128xf32, #tpu.memory_space<hbm>>
      %dma_wait3A_290 = tpu.memref_squeeze %dma_wait3A_289 : memref<1x128x128xf32, #tpu.memory_space<hbm>> -> memref<128x128xf32, #tpu.memory_space<hbm>>
      tpu.wait_dma2 semaphore(%arg18 : memref<!tpu.dma_semaphore, #tpu.memory_space<semaphore_mem>>) src(%arg10 : memref<128x128xf32, #tpu.memory_space<vmem>>) dst(%dma_wait3A_290 : memref<128x128xf32, #tpu.memory_space<hbm>>)
      %dma_wait3A_291 = arith.constant 0 : i32
      %dma_wait3A_292 = tpu.memref_slice %arg7[%sub3A_284, %multiple_of3A, %dma_wait3A_291] : memref<20x4096x128xf32, #tpu.memory_space<hbm>> -> memref<1x128x128xf32, #tpu.memory_space<hbm>>
      %dma_wait3A_293 = tpu.memref_squeeze %dma_wait3A_292 : memref<1x128x128xf32, #tpu.memory_space<hbm>> -> memref<128x128xf32, #tpu.memory_space<hbm>>
      %dma_wait3A_294 = arith.constant 0 : i32
      %dma_wait3A_295 = tpu.memref_slice %arg7[%sub3A_284, %multiple_of3A, %dma_wait3A_294] : memref<20x4096x128xf32, #tpu.memory_space<hbm>> -> memref<1x128x128xf32, #tpu.memory_space<hbm>>
      %dma_wait3A_296 = tpu.memref_squeeze %dma_wait3A_295 : memref<1x128x128xf32, #tpu.memory_space<hbm>> -> memref<128x128xf32, #tpu.memory_space<hbm>>
      tpu.wait_dma2 semaphore(%arg19 : memref<!tpu.dma_semaphore, #tpu.memory_space<semaphore_mem>>) src(%arg13 : memref<128x128xf32, #tpu.memory_space<vmem>>) dst(%dma_wait3A_296 : memref<128x128xf32, #tpu.memory_space<hbm>>)
      %add3A_297 = arith.constant 2 : i32
      %add3A_298 = arith.addi %add3A_283, %add3A_297 : i32
      %mul3A_299 = arith.constant 128 : i32
      %mul3A_300 = arith.muli %add3A_298, %mul3A_299 : i32
      %multiple_of3A_301 = tpu.assume_multiple %mul3A_300, 128 : i32
      %dma_start3A_302 = tpu.memref_slice %arg8[%multiple_of3A_301] : memref<2560xi32, #tpu.memory_space<vmem>> -> memref<128xi32, #tpu.memory_space<vmem>>
      %dma_start3A_303 = arith.constant 0 : i32
      %dma_start3A_304 = arith.constant 0 : i32
      %dma_start3A_305 = tpu.memref_slice %arg2[%dma_start3A_303, %dma_start3A_304] : memref<100000x128xf32, #tpu.memory_space<hbm>> -> memref<100000x128xf32, #tpu.memory_space<hbm>>
      tpu.enqueue_indirect_dma source(%dma_start3A_305 : memref<100000x128xf32, #tpu.memory_space<hbm>>) target(%arg10 : memref<128x128xf32, #tpu.memory_space<vmem>>) offsets(%dma_start3A_302 : memref<128xi32, #tpu.memory_space<vmem>>) semaphore(%arg16 : memref<!tpu.dma_semaphore, #tpu.memory_space<semaphore_mem>>)
      %mul3A_306 = arith.constant 128 : i32
      %mul3A_307 = arith.muli %add3A_298, %mul3A_306 : i32
      %multiple_of3A_308 = tpu.assume_multiple %mul3A_307, 128 : i32
      %dma_start3A_309 = tpu.memref_slice %arg9[%multiple_of3A_308] : memref<2560xi32, #tpu.memory_space<vmem>> -> memref<128xi32, #tpu.memory_space<vmem>>
      %dma_start3A_310 = arith.constant 0 : i32
      %dma_start3A_311 = arith.constant 0 : i32
      %dma_start3A_312 = tpu.memref_slice %arg3[%dma_start3A_310, %dma_start3A_311] : memref<100000x128xf32, #tpu.memory_space<hbm>> -> memref<100000x128xf32, #tpu.memory_space<hbm>>
      tpu.enqueue_indirect_dma source(%dma_start3A_312 : memref<100000x128xf32, #tpu.memory_space<hbm>>) target(%arg13 : memref<128x128xf32, #tpu.memory_space<vmem>>) offsets(%dma_start3A_309 : memref<128xi32, #tpu.memory_space<vmem>>) semaphore(%arg17 : memref<!tpu.dma_semaphore, #tpu.memory_space<semaphore_mem>>)
      %mul3A_313 = arith.constant 128 : i32
      %mul3A_314 = arith.muli %add3A_283, %mul3A_313 : i32
      %multiple_of3A_315 = tpu.assume_multiple %mul3A_314, 128 : i32
      %dma_wait3A_316 = tpu.memref_slice %arg8[%multiple_of3A_315] : memref<2560xi32, #tpu.memory_space<vmem>> -> memref<128xi32, #tpu.memory_space<vmem>>
      %dma_wait3A_317 = arith.constant 0 : i32
      %dma_wait3A_318 = arith.constant 0 : i32
      %dma_wait3A_319 = tpu.memref_slice %arg2[%dma_wait3A_317, %dma_wait3A_318] : memref<100000x128xf32, #tpu.memory_space<hbm>> -> memref<100000x128xf32, #tpu.memory_space<hbm>>
      tpu.wait_indirect_dma semaphore(%arg16 : memref<!tpu.dma_semaphore, #tpu.memory_space<semaphore_mem>>) src(%dma_wait3A_319 : memref<100000x128xf32, #tpu.memory_space<hbm>>) dst(%arg11 : memref<128x128xf32, #tpu.memory_space<vmem>>)
      %dma_start3A_320 = arith.constant 0 : i32
      %dma_start3A_321 = tpu.memref_slice %arg6[%add3A_283, %multiple_of3A, %dma_start3A_320] : memref<20x4096x128xf32, #tpu.memory_space<hbm>> -> memref<1x128x128xf32, #tpu.memory_space<hbm>>
      %dma_start3A_322 = tpu.memref_squeeze %dma_start3A_321 : memref<1x128x128xf32, #tpu.memory_space<hbm>> -> memref<128x128xf32, #tpu.memory_space<hbm>>
      %dma_start3A_323 = arith.constant 0 : i32
      %dma_start3A_324 = tpu.memref_slice %arg6[%add3A_283, %multiple_of3A, %dma_start3A_323] : memref<20x4096x128xf32, #tpu.memory_space<hbm>> -> memref<1x128x128xf32, #tpu.memory_space<hbm>>
      %dma_start3A_325 = tpu.memref_squeeze %dma_start3A_324 : memref<1x128x128xf32, #tpu.memory_space<hbm>> -> memref<128x128xf32, #tpu.memory_space<hbm>>
      tpu.enqueue_dma source(%arg11 : memref<128x128xf32, #tpu.memory_space<vmem>>) target(%dma_start3A_325 : memref<128x128xf32, #tpu.memory_space<hbm>>) target_semaphore(%arg18 : memref<!tpu.dma_semaphore, #tpu.memory_space<semaphore_mem>>)
      %mul3A_326 = arith.constant 128 : i32
      %mul3A_327 = arith.muli %add3A_283, %mul3A_326 : i32
      %multiple_of3A_328 = tpu.assume_multiple %mul3A_327, 128 : i32
      %dma_wait3A_329 = tpu.memref_slice %arg9[%multiple_of3A_328] : memref<2560xi32, #tpu.memory_space<vmem>> -> memref<128xi32, #tpu.memory_space<vmem>>
      %dma_wait3A_330 = arith.constant 0 : i32
      %dma_wait3A_331 = arith.constant 0 : i32
      %dma_wait3A_332 = tpu.memref_slice %arg3[%dma_wait3A_330, %dma_wait3A_331] : memref<100000x128xf32, #tpu.memory_space<hbm>> -> memref<100000x128xf32, #tpu.memory_space<hbm>>
      tpu.wait_indirect_dma semaphore(%arg17 : memref<!tpu.dma_semaphore, #tpu.memory_space<semaphore_mem>>) src(%dma_wait3A_332 : memref<100000x128xf32, #tpu.memory_space<hbm>>) dst(%arg14 : memref<128x128xf32, #tpu.memory_space<vmem>>)
      %dma_start3A_333 = arith.constant 0 : i32
      %dma_start3A_334 = tpu.memref_slice %arg7[%add3A_283, %multiple_of3A, %dma_start3A_333] : memref<20x4096x128xf32, #tpu.memory_space<hbm>> -> memref<1x128x128xf32, #tpu.memory_space<hbm>>
      %dma_start3A_335 = tpu.memref_squeeze %dma_start3A_334 : memref<1x128x128xf32, #tpu.memory_space<hbm>> -> memref<128x128xf32, #tpu.memory_space<hbm>>
      %dma_start3A_336 = arith.constant 0 : i32
      %dma_start3A_337 = tpu.memref_slice %arg7[%add3A_283, %multiple_of3A, %dma_start3A_336] : memref<20x4096x128xf32, #tpu.memory_space<hbm>> -> memref<1x128x128xf32, #tpu.memory_space<hbm>>
      %dma_start3A_338 = tpu.memref_squeeze %dma_start3A_337 : memref<1x128x128xf32, #tpu.memory_space<hbm>> -> memref<128x128xf32, #tpu.memory_space<hbm>>
      tpu.enqueue_dma source(%arg14 : memref<128x128xf32, #tpu.memory_space<vmem>>) target(%dma_start3A_338 : memref<128x128xf32, #tpu.memory_space<hbm>>) target_semaphore(%arg19 : memref<!tpu.dma_semaphore, #tpu.memory_space<semaphore_mem>>)
      %mul3A_339 = arith.constant 3 : i32
      %mul3A_340 = arith.muli %mul3A_339, %scan3A_277 : i32
      %add3A_341 = arith.constant 1 : i32
      %add3A_342 = arith.addi %mul3A_340, %add3A_341 : i32
      %add3A_343 = arith.constant 1 : i32
      %add3A_344 = arith.addi %add3A_342, %add3A_343 : i32
      %sub3A_345 = arith.constant 1 : i32
      %sub3A_346 = arith.subi %add3A_344, %sub3A_345 : i32
      %dma_wait3A_347 = arith.constant 0 : i32
      %dma_wait3A_348 = tpu.memref_slice %arg6[%sub3A_346, %multiple_of3A, %dma_wait3A_347] : memref<20x4096x128xf32, #tpu.memory_space<hbm>> -> memref<1x128x128xf32, #tpu.memory_space<hbm>>
      %dma_wait3A_349 = tpu.memref_squeeze %dma_wait3A_348 : memref<1x128x128xf32, #tpu.memory_space<hbm>> -> memref<128x128xf32, #tpu.memory_space<hbm>>
      %dma_wait3A_350 = arith.constant 0 : i32
      %dma_wait3A_351 = tpu.memref_slice %arg6[%sub3A_346, %multiple_of3A, %dma_wait3A_350] : memref<20x4096x128xf32, #tpu.memory_space<hbm>> -> memref<1x128x128xf32, #tpu.memory_space<hbm>>
      %dma_wait3A_352 = tpu.memref_squeeze %dma_wait3A_351 : memref<1x128x128xf32, #tpu.memory_space<hbm>> -> memref<128x128xf32, #tpu.memory_space<hbm>>
      tpu.wait_dma2 semaphore(%arg18 : memref<!tpu.dma_semaphore, #tpu.memory_space<semaphore_mem>>) src(%arg11 : memref<128x128xf32, #tpu.memory_space<vmem>>) dst(%dma_wait3A_352 : memref<128x128xf32, #tpu.memory_space<hbm>>)
      %dma_wait3A_353 = arith.constant 0 : i32
      %dma_wait3A_354 = tpu.memref_slice %arg7[%sub3A_346, %multiple_of3A, %dma_wait3A_353] : memref<20x4096x128xf32, #tpu.memory_space<hbm>> -> memref<1x128x128xf32, #tpu.memory_space<hbm>>
      %dma_wait3A_355 = tpu.memref_squeeze %dma_wait3A_354 : memref<1x128x128xf32, #tpu.memory_space<hbm>> -> memref<128x128xf32, #tpu.memory_space<hbm>>
      %dma_wait3A_356 = arith.constant 0 : i32
      %dma_wait3A_357 = tpu.memref_slice %arg7[%sub3A_346, %multiple_of3A, %dma_wait3A_356] : memref<20x4096x128xf32, #tpu.memory_space<hbm>> -> memref<1x128x128xf32, #tpu.memory_space<hbm>>
      %dma_wait3A_358 = tpu.memref_squeeze %dma_wait3A_357 : memref<1x128x128xf32, #tpu.memory_space<hbm>> -> memref<128x128xf32, #tpu.memory_space<hbm>>
      tpu.wait_dma2 semaphore(%arg19 : memref<!tpu.dma_semaphore, #tpu.memory_space<semaphore_mem>>) src(%arg14 : memref<128x128xf32, #tpu.memory_space<vmem>>) dst(%dma_wait3A_358 : memref<128x128xf32, #tpu.memory_space<hbm>>)
      %add3A_359 = arith.constant 2 : i32
      %add3A_360 = arith.addi %add3A_344, %add3A_359 : i32
      %mul3A_361 = arith.constant 128 : i32
      %mul3A_362 = arith.muli %add3A_360, %mul3A_361 : i32
      %multiple_of3A_363 = tpu.assume_multiple %mul3A_362, 128 : i32
      %dma_start3A_364 = tpu.memref_slice %arg8[%multiple_of3A_363] : memref<2560xi32, #tpu.memory_space<vmem>> -> memref<128xi32, #tpu.memory_space<vmem>>
      %dma_start3A_365 = arith.constant 0 : i32
      %dma_start3A_366 = arith.constant 0 : i32
      %dma_start3A_367 = tpu.memref_slice %arg2[%dma_start3A_365, %dma_start3A_366] : memref<100000x128xf32, #tpu.memory_space<hbm>> -> memref<100000x128xf32, #tpu.memory_space<hbm>>
      tpu.enqueue_indirect_dma source(%dma_start3A_367 : memref<100000x128xf32, #tpu.memory_space<hbm>>) target(%arg11 : memref<128x128xf32, #tpu.memory_space<vmem>>) offsets(%dma_start3A_364 : memref<128xi32, #tpu.memory_space<vmem>>) semaphore(%arg16 : memref<!tpu.dma_semaphore, #tpu.memory_space<semaphore_mem>>)
      %mul3A_368 = arith.constant 128 : i32
      %mul3A_369 = arith.muli %add3A_360, %mul3A_368 : i32
      %multiple_of3A_370 = tpu.assume_multiple %mul3A_369, 128 : i32
      %dma_start3A_371 = tpu.memref_slice %arg9[%multiple_of3A_370] : memref<2560xi32, #tpu.memory_space<vmem>> -> memref<128xi32, #tpu.memory_space<vmem>>
      %dma_start3A_372 = arith.constant 0 : i32
      %dma_start3A_373 = arith.constant 0 : i32
      %dma_start3A_374 = tpu.memref_slice %arg3[%dma_start3A_372, %dma_start3A_373] : memref<100000x128xf32, #tpu.memory_space<hbm>> -> memref<100000x128xf32, #tpu.memory_space<hbm>>
      tpu.enqueue_indirect_dma source(%dma_start3A_374 : memref<100000x128xf32, #tpu.memory_space<hbm>>) target(%arg14 : memref<128x128xf32, #tpu.memory_space<vmem>>) offsets(%dma_start3A_371 : memref<128xi32, #tpu.memory_space<vmem>>) semaphore(%arg17 : memref<!tpu.dma_semaphore, #tpu.memory_space<semaphore_mem>>)
      %mul3A_375 = arith.constant 128 : i32
      %mul3A_376 = arith.muli %add3A_344, %mul3A_375 : i32
      %multiple_of3A_377 = tpu.assume_multiple %mul3A_376, 128 : i32
      %dma_wait3A_378 = tpu.memref_slice %arg8[%multiple_of3A_377] : memref<2560xi32, #tpu.memory_space<vmem>> -> memref<128xi32, #tpu.memory_space<vmem>>
      %dma_wait3A_379 = arith.constant 0 : i32
      %dma_wait3A_380 = arith.constant 0 : i32
      %dma_wait3A_381 = tpu.memref_slice %arg2[%dma_wait3A_379, %dma_wait3A_380] : memref<100000x128xf32, #tpu.memory_space<hbm>> -> memref<100000x128xf32, #tpu.memory_space<hbm>>
      tpu.wait_indirect_dma semaphore(%arg16 : memref<!tpu.dma_semaphore, #tpu.memory_space<semaphore_mem>>) src(%dma_wait3A_381 : memref<100000x128xf32, #tpu.memory_space<hbm>>) dst(%arg12 : memref<128x128xf32, #tpu.memory_space<vmem>>)
      %dma_start3A_382 = arith.constant 0 : i32
      %dma_start3A_383 = tpu.memref_slice %arg6[%add3A_344, %multiple_of3A, %dma_start3A_382] : memref<20x4096x128xf32, #tpu.memory_space<hbm>> -> memref<1x128x128xf32, #tpu.memory_space<hbm>>
      %dma_start3A_384 = tpu.memref_squeeze %dma_start3A_383 : memref<1x128x128xf32, #tpu.memory_space<hbm>> -> memref<128x128xf32, #tpu.memory_space<hbm>>
      %dma_start3A_385 = arith.constant 0 : i32
      %dma_start3A_386 = tpu.memref_slice %arg6[%add3A_344, %multiple_of3A, %dma_start3A_385] : memref<20x4096x128xf32, #tpu.memory_space<hbm>> -> memref<1x128x128xf32, #tpu.memory_space<hbm>>
      %dma_start3A_387 = tpu.memref_squeeze %dma_start3A_386 : memref<1x128x128xf32, #tpu.memory_space<hbm>> -> memref<128x128xf32, #tpu.memory_space<hbm>>
      tpu.enqueue_dma source(%arg12 : memref<128x128xf32, #tpu.memory_space<vmem>>) target(%dma_start3A_387 : memref<128x128xf32, #tpu.memory_space<hbm>>) target_semaphore(%arg18 : memref<!tpu.dma_semaphore, #tpu.memory_space<semaphore_mem>>)
      %mul3A_388 = arith.constant 128 : i32
      %mul3A_389 = arith.muli %add3A_344, %mul3A_388 : i32
      %multiple_of3A_390 = tpu.assume_multiple %mul3A_389, 128 : i32
      %dma_wait3A_391 = tpu.memref_slice %arg9[%multiple_of3A_390] : memref<2560xi32, #tpu.memory_space<vmem>> -> memref<128xi32, #tpu.memory_space<vmem>>
      %dma_wait3A_392 = arith.constant 0 : i32
      %dma_wait3A_393 = arith.constant 0 : i32
      %dma_wait3A_394 = tpu.memref_slice %arg3[%dma_wait3A_392, %dma_wait3A_393] : memref<100000x128xf32, #tpu.memory_space<hbm>> -> memref<100000x128xf32, #tpu.memory_space<hbm>>
      tpu.wait_indirect_dma semaphore(%arg17 : memref<!tpu.dma_semaphore, #tpu.memory_space<semaphore_mem>>) src(%dma_wait3A_394 : memref<100000x128xf32, #tpu.memory_space<hbm>>) dst(%arg15 : memref<128x128xf32, #tpu.memory_space<vmem>>)
      %dma_start3A_395 = arith.constant 0 : i32
      %dma_start3A_396 = tpu.memref_slice %arg7[%add3A_344, %multiple_of3A, %dma_start3A_395] : memref<20x4096x128xf32, #tpu.memory_space<hbm>> -> memref<1x128x128xf32, #tpu.memory_space<hbm>>
      %dma_start3A_397 = tpu.memref_squeeze %dma_start3A_396 : memref<1x128x128xf32, #tpu.memory_space<hbm>> -> memref<128x128xf32, #tpu.memory_space<hbm>>
      %dma_start3A_398 = arith.constant 0 : i32
      %dma_start3A_399 = tpu.memref_slice %arg7[%add3A_344, %multiple_of3A, %dma_start3A_398] : memref<20x4096x128xf32, #tpu.memory_space<hbm>> -> memref<1x128x128xf32, #tpu.memory_space<hbm>>
      %dma_start3A_400 = tpu.memref_squeeze %dma_start3A_399 : memref<1x128x128xf32, #tpu.memory_space<hbm>> -> memref<128x128xf32, #tpu.memory_space<hbm>>
      tpu.enqueue_dma source(%arg15 : memref<128x128xf32, #tpu.memory_space<vmem>>) target(%dma_start3A_400 : memref<128x128xf32, #tpu.memory_space<hbm>>) target_semaphore(%arg19 : memref<!tpu.dma_semaphore, #tpu.memory_space<semaphore_mem>>)
      %mul3A_401 = arith.constant 3 : i32
      %mul3A_402 = arith.muli %mul3A_401, %scan3A_277 : i32
      %add3A_403 = arith.constant 1 : i32
      %add3A_404 = arith.addi %mul3A_402, %add3A_403 : i32
      %add3A_405 = arith.constant 2 : i32
      %add3A_406 = arith.addi %add3A_404, %add3A_405 : i32
      %sub3A_407 = arith.constant 1 : i32
      %sub3A_408 = arith.subi %add3A_406, %sub3A_407 : i32
      %dma_wait3A_409 = arith.constant 0 : i32
      %dma_wait3A_410 = tpu.memref_slice %arg6[%sub3A_408, %multiple_of3A, %dma_wait3A_409] : memref<20x4096x128xf32, #tpu.memory_space<hbm>> -> memref<1x128x128xf32, #tpu.memory_space<hbm>>
      %dma_wait3A_411 = tpu.memref_squeeze %dma_wait3A_410 : memref<1x128x128xf32, #tpu.memory_space<hbm>> -> memref<128x128xf32, #tpu.memory_space<hbm>>
      %dma_wait3A_412 = arith.constant 0 : i32
      %dma_wait3A_413 = tpu.memref_slice %arg6[%sub3A_408, %multiple_of3A, %dma_wait3A_412] : memref<20x4096x128xf32, #tpu.memory_space<hbm>> -> memref<1x128x128xf32, #tpu.memory_space<hbm>>
      %dma_wait3A_414 = tpu.memref_squeeze %dma_wait3A_413 : memref<1x128x128xf32, #tpu.memory_space<hbm>> -> memref<128x128xf32, #tpu.memory_space<hbm>>
      tpu.wait_dma2 semaphore(%arg18 : memref<!tpu.dma_semaphore, #tpu.memory_space<semaphore_mem>>) src(%arg12 : memref<128x128xf32, #tpu.memory_space<vmem>>) dst(%dma_wait3A_414 : memref<128x128xf32, #tpu.memory_space<hbm>>)
      %dma_wait3A_415 = arith.constant 0 : i32
      %dma_wait3A_416 = tpu.memref_slice %arg7[%sub3A_408, %multiple_of3A, %dma_wait3A_415] : memref<20x4096x128xf32, #tpu.memory_space<hbm>> -> memref<1x128x128xf32, #tpu.memory_space<hbm>>
      %dma_wait3A_417 = tpu.memref_squeeze %dma_wait3A_416 : memref<1x128x128xf32, #tpu.memory_space<hbm>> -> memref<128x128xf32, #tpu.memory_space<hbm>>
      %dma_wait3A_418 = arith.constant 0 : i32
      %dma_wait3A_419 = tpu.memref_slice %arg7[%sub3A_408, %multiple_of3A, %dma_wait3A_418] : memref<20x4096x128xf32, #tpu.memory_space<hbm>> -> memref<1x128x128xf32, #tpu.memory_space<hbm>>
      %dma_wait3A_420 = tpu.memref_squeeze %dma_wait3A_419 : memref<1x128x128xf32, #tpu.memory_space<hbm>> -> memref<128x128xf32, #tpu.memory_space<hbm>>
      tpu.wait_dma2 semaphore(%arg19 : memref<!tpu.dma_semaphore, #tpu.memory_space<semaphore_mem>>) src(%arg15 : memref<128x128xf32, #tpu.memory_space<vmem>>) dst(%dma_wait3A_420 : memref<128x128xf32, #tpu.memory_space<hbm>>)
      %add3A_421 = arith.constant 2 : i32
      %add3A_422 = arith.addi %add3A_406, %add3A_421 : i32
      %mul3A_423 = arith.constant 128 : i32
      %mul3A_424 = arith.muli %add3A_422, %mul3A_423 : i32
      %multiple_of3A_425 = tpu.assume_multiple %mul3A_424, 128 : i32
      %dma_start3A_426 = tpu.memref_slice %arg8[%multiple_of3A_425] : memref<2560xi32, #tpu.memory_space<vmem>> -> memref<128xi32, #tpu.memory_space<vmem>>
      %dma_start3A_427 = arith.constant 0 : i32
      %dma_start3A_428 = arith.constant 0 : i32
      %dma_start3A_429 = tpu.memref_slice %arg2[%dma_start3A_427, %dma_start3A_428] : memref<100000x128xf32, #tpu.memory_space<hbm>> -> memref<100000x128xf32, #tpu.memory_space<hbm>>
      tpu.enqueue_indirect_dma source(%dma_start3A_429 : memref<100000x128xf32, #tpu.memory_space<hbm>>) target(%arg12 : memref<128x128xf32, #tpu.memory_space<vmem>>) offsets(%dma_start3A_426 : memref<128xi32, #tpu.memory_space<vmem>>) semaphore(%arg16 : memref<!tpu.dma_semaphore, #tpu.memory_space<semaphore_mem>>)
      %mul3A_430 = arith.constant 128 : i32
      %mul3A_431 = arith.muli %add3A_422, %mul3A_430 : i32
      %multiple_of3A_432 = tpu.assume_multiple %mul3A_431, 128 : i32
      %dma_start3A_433 = tpu.memref_slice %arg9[%multiple_of3A_432] : memref<2560xi32, #tpu.memory_space<vmem>> -> memref<128xi32, #tpu.memory_space<vmem>>
      %dma_start3A_434 = arith.constant 0 : i32
      %dma_start3A_435 = arith.constant 0 : i32
      %dma_start3A_436 = tpu.memref_slice %arg3[%dma_start3A_434, %dma_start3A_435] : memref<100000x128xf32, #tpu.memory_space<hbm>> -> memref<100000x128xf32, #tpu.memory_space<hbm>>
      tpu.enqueue_indirect_dma source(%dma_start3A_436 : memref<100000x128xf32, #tpu.memory_space<hbm>>) target(%arg15 : memref<128x128xf32, #tpu.memory_space<vmem>>) offsets(%dma_start3A_433 : memref<128xi32, #tpu.memory_space<vmem>>) semaphore(%arg17 : memref<!tpu.dma_semaphore, #tpu.memory_space<semaphore_mem>>)
      %mul3A_437 = arith.constant 128 : i32
      %mul3A_438 = arith.muli %add3A_406, %mul3A_437 : i32
      %multiple_of3A_439 = tpu.assume_multiple %mul3A_438, 128 : i32
      %dma_wait3A_440 = tpu.memref_slice %arg8[%multiple_of3A_439] : memref<2560xi32, #tpu.memory_space<vmem>> -> memref<128xi32, #tpu.memory_space<vmem>>
      %dma_wait3A_441 = arith.constant 0 : i32
      %dma_wait3A_442 = arith.constant 0 : i32
      %dma_wait3A_443 = tpu.memref_slice %arg2[%dma_wait3A_441, %dma_wait3A_442] : memref<100000x128xf32, #tpu.memory_space<hbm>> -> memref<100000x128xf32, #tpu.memory_space<hbm>>
      tpu.wait_indirect_dma semaphore(%arg16 : memref<!tpu.dma_semaphore, #tpu.memory_space<semaphore_mem>>) src(%dma_wait3A_443 : memref<100000x128xf32, #tpu.memory_space<hbm>>) dst(%arg10 : memref<128x128xf32, #tpu.memory_space<vmem>>)
      %dma_start3A_444 = arith.constant 0 : i32
      %dma_start3A_445 = tpu.memref_slice %arg6[%add3A_406, %multiple_of3A, %dma_start3A_444] : memref<20x4096x128xf32, #tpu.memory_space<hbm>> -> memref<1x128x128xf32, #tpu.memory_space<hbm>>
      %dma_start3A_446 = tpu.memref_squeeze %dma_start3A_445 : memref<1x128x128xf32, #tpu.memory_space<hbm>> -> memref<128x128xf32, #tpu.memory_space<hbm>>
      %dma_start3A_447 = arith.constant 0 : i32
      %dma_start3A_448 = tpu.memref_slice %arg6[%add3A_406, %multiple_of3A, %dma_start3A_447] : memref<20x4096x128xf32, #tpu.memory_space<hbm>> -> memref<1x128x128xf32, #tpu.memory_space<hbm>>
      %dma_start3A_449 = tpu.memref_squeeze %dma_start3A_448 : memref<1x128x128xf32, #tpu.memory_space<hbm>> -> memref<128x128xf32, #tpu.memory_space<hbm>>
      tpu.enqueue_dma source(%arg10 : memref<128x128xf32, #tpu.memory_space<vmem>>) target(%dma_start3A_449 : memref<128x128xf32, #tpu.memory_space<hbm>>) target_semaphore(%arg18 : memref<!tpu.dma_semaphore, #tpu.memory_space<semaphore_mem>>)
      %mul3A_450 = arith.constant 128 : i32
      %mul3A_451 = arith.muli %add3A_406, %mul3A_450 : i32
      %multiple_of3A_452 = tpu.assume_multiple %mul3A_451, 128 : i32
      %dma_wait3A_453 = tpu.memref_slice %arg9[%multiple_of3A_452] : memref<2560xi32, #tpu.memory_space<vmem>> -> memref<128xi32, #tpu.memory_space<vmem>>
      %dma_wait3A_454 = arith.constant 0 : i32
      %dma_wait3A_455 = arith.constant 0 : i32
      %dma_wait3A_456 = tpu.memref_slice %arg3[%dma_wait3A_454, %dma_wait3A_455] : memref<100000x128xf32, #tpu.memory_space<hbm>> -> memref<100000x128xf32, #tpu.memory_space<hbm>>
      tpu.wait_indirect_dma semaphore(%arg17 : memref<!tpu.dma_semaphore, #tpu.memory_space<semaphore_mem>>) src(%dma_wait3A_456 : memref<100000x128xf32, #tpu.memory_space<hbm>>) dst(%arg13 : memref<128x128xf32, #tpu.memory_space<vmem>>)
      %dma_start3A_457 = arith.constant 0 : i32
      %dma_start3A_458 = tpu.memref_slice %arg7[%add3A_406, %multiple_of3A, %dma_start3A_457] : memref<20x4096x128xf32, #tpu.memory_space<hbm>> -> memref<1x128x128xf32, #tpu.memory_space<hbm>>
      %dma_start3A_459 = tpu.memref_squeeze %dma_start3A_458 : memref<1x128x128xf32, #tpu.memory_space<hbm>> -> memref<128x128xf32, #tpu.memory_space<hbm>>
      %dma_start3A_460 = arith.constant 0 : i32
      %dma_start3A_461 = tpu.memref_slice %arg7[%add3A_406, %multiple_of3A, %dma_start3A_460] : memref<20x4096x128xf32, #tpu.memory_space<hbm>> -> memref<1x128x128xf32, #tpu.memory_space<hbm>>
      %dma_start3A_462 = tpu.memref_squeeze %dma_start3A_461 : memref<1x128x128xf32, #tpu.memory_space<hbm>> -> memref<128x128xf32, #tpu.memory_space<hbm>>
      tpu.enqueue_dma source(%arg13 : memref<128x128xf32, #tpu.memory_space<vmem>>) target(%dma_start3A_462 : memref<128x128xf32, #tpu.memory_space<hbm>>) target_semaphore(%arg19 : memref<!tpu.dma_semaphore, #tpu.memory_space<semaphore_mem>>)
    }
    %scan3A_78 = arith.constant 5 : i32
    %dma_wait3A_79 = arith.constant 15 : i32
    %dma_wait3A_80 = arith.constant 0 : i32
    %dma_wait3A_81 = tpu.memref_slice %arg6[%dma_wait3A_79, %multiple_of3A, %dma_wait3A_80] : memref<20x4096x128xf32, #tpu.memory_space<hbm>> -> memref<1x128x128xf32, #tpu.memory_space<hbm>>
    %dma_wait3A_82 = tpu.memref_squeeze %dma_wait3A_81 : memref<1x128x128xf32, #tpu.memory_space<hbm>> -> memref<128x128xf32, #tpu.memory_space<hbm>>
    %dma_wait3A_83 = arith.constant 0 : i32
    %dma_wait3A_84 = tpu.memref_slice %arg6[%dma_wait3A_79, %multiple_of3A, %dma_wait3A_83] : memref<20x4096x128xf32, #tpu.memory_space<hbm>> -> memref<1x128x128xf32, #tpu.memory_space<hbm>>
    %dma_wait3A_85 = tpu.memref_squeeze %dma_wait3A_84 : memref<1x128x128xf32, #tpu.memory_space<hbm>> -> memref<128x128xf32, #tpu.memory_space<hbm>>
    tpu.wait_dma2 semaphore(%arg18 : memref<!tpu.dma_semaphore, #tpu.memory_space<semaphore_mem>>) src(%arg10 : memref<128x128xf32, #tpu.memory_space<vmem>>) dst(%dma_wait3A_85 : memref<128x128xf32, #tpu.memory_space<hbm>>)
    %dma_wait3A_86 = arith.constant 15 : i32
    %dma_wait3A_87 = arith.constant 0 : i32
    %dma_wait3A_88 = tpu.memref_slice %arg7[%dma_wait3A_86, %multiple_of3A, %dma_wait3A_87] : memref<20x4096x128xf32, #tpu.memory_space<hbm>> -> memref<1x128x128xf32, #tpu.memory_space<hbm>>
    %dma_wait3A_89 = tpu.memref_squeeze %dma_wait3A_88 : memref<1x128x128xf32, #tpu.memory_space<hbm>> -> memref<128x128xf32, #tpu.memory_space<hbm>>
    %dma_wait3A_90 = arith.constant 0 : i32
    %dma_wait3A_91 = tpu.memref_slice %arg7[%dma_wait3A_86, %multiple_of3A, %dma_wait3A_90] : memref<20x4096x128xf32, #tpu.memory_space<hbm>> -> memref<1x128x128xf32, #tpu.memory_space<hbm>>
    %dma_wait3A_92 = tpu.memref_squeeze %dma_wait3A_91 : memref<1x128x128xf32, #tpu.memory_space<hbm>> -> memref<128x128xf32, #tpu.memory_space<hbm>>
    tpu.wait_dma2 semaphore(%arg19 : memref<!tpu.dma_semaphore, #tpu.memory_space<semaphore_mem>>) src(%arg13 : memref<128x128xf32, #tpu.memory_space<vmem>>) dst(%dma_wait3A_92 : memref<128x128xf32, #tpu.memory_space<hbm>>)
    %multiple_of3A_93 = arith.constant 2304 : i32
    %multiple_of3A_94 = tpu.assume_multiple %multiple_of3A_93, 128 : i32
    %dma_start3A_95 = tpu.memref_slice %arg8[%multiple_of3A_94] : memref<2560xi32, #tpu.memory_space<vmem>> -> memref<128xi32, #tpu.memory_space<vmem>>
    %dma_start3A_96 = arith.constant 0 : i32
    %dma_start3A_97 = arith.constant 0 : i32
    %dma_start3A_98 = tpu.memref_slice %arg2[%dma_start3A_96, %dma_start3A_97] : memref<100000x128xf32, #tpu.memory_space<hbm>> -> memref<100000x128xf32, #tpu.memory_space<hbm>>
    tpu.enqueue_indirect_dma source(%dma_start3A_98 : memref<100000x128xf32, #tpu.memory_space<hbm>>) target(%arg10 : memref<128x128xf32, #tpu.memory_space<vmem>>) offsets(%dma_start3A_95 : memref<128xi32, #tpu.memory_space<vmem>>) semaphore(%arg16 : memref<!tpu.dma_semaphore, #tpu.memory_space<semaphore_mem>>)
    %multiple_of3A_99 = arith.constant 2304 : i32
    %multiple_of3A_100 = tpu.assume_multiple %multiple_of3A_99, 128 : i32
    %dma_start3A_101 = tpu.memref_slice %arg9[%multiple_of3A_100] : memref<2560xi32, #tpu.memory_space<vmem>> -> memref<128xi32, #tpu.memory_space<vmem>>
    %dma_start3A_102 = arith.constant 0 : i32
    %dma_start3A_103 = arith.constant 0 : i32
    %dma_start3A_104 = tpu.memref_slice %arg3[%dma_start3A_102, %dma_start3A_103] : memref<100000x128xf32, #tpu.memory_space<hbm>> -> memref<100000x128xf32, #tpu.memory_space<hbm>>
    tpu.enqueue_indirect_dma source(%dma_start3A_104 : memref<100000x128xf32, #tpu.memory_space<hbm>>) target(%arg13 : memref<128x128xf32, #tpu.memory_space<vmem>>) offsets(%dma_start3A_101 : memref<128xi32, #tpu.memory_space<vmem>>) semaphore(%arg17 : memref<!tpu.dma_semaphore, #tpu.memory_space<semaphore_mem>>)
    %multiple_of3A_105 = arith.constant 2048 : i32
    %multiple_of3A_106 = tpu.assume_multiple %multiple_of3A_105, 128 : i32
    %dma_wait3A_107 = tpu.memref_slice %arg8[%multiple_of3A_106] : memref<2560xi32, #tpu.memory_space<vmem>> -> memref<128xi32, #tpu.memory_space<vmem>>
    %dma_wait3A_108 = arith.constant 0 : i32
    %dma_wait3A_109 = arith.constant 0 : i32
    %dma_wait3A_110 = tpu.memref_slice %arg2[%dma_wait3A_108, %dma_wait3A_109] : memref<100000x128xf32, #tpu.memory_space<hbm>> -> memref<100000x128xf32, #tpu.memory_space<hbm>>
    tpu.wait_indirect_dma semaphore(%arg16 : memref<!tpu.dma_semaphore, #tpu.memory_space<semaphore_mem>>) src(%dma_wait3A_110 : memref<100000x128xf32, #tpu.memory_space<hbm>>) dst(%arg11 : memref<128x128xf32, #tpu.memory_space<vmem>>)
    %dma_start3A_111 = arith.constant 16 : i32
    %dma_start3A_112 = arith.constant 0 : i32
    %dma_start3A_113 = tpu.memref_slice %arg6[%dma_start3A_111, %multiple_of3A, %dma_start3A_112] : memref<20x4096x128xf32, #tpu.memory_space<hbm>> -> memref<1x128x128xf32, #tpu.memory_space<hbm>>
    %dma_start3A_114 = tpu.memref_squeeze %dma_start3A_113 : memref<1x128x128xf32, #tpu.memory_space<hbm>> -> memref<128x128xf32, #tpu.memory_space<hbm>>
    %dma_start3A_115 = arith.constant 0 : i32
    %dma_start3A_116 = tpu.memref_slice %arg6[%dma_start3A_111, %multiple_of3A, %dma_start3A_115] : memref<20x4096x128xf32, #tpu.memory_space<hbm>> -> memref<1x128x128xf32, #tpu.memory_space<hbm>>
    %dma_start3A_117 = tpu.memref_squeeze %dma_start3A_116 : memref<1x128x128xf32, #tpu.memory_space<hbm>> -> memref<128x128xf32, #tpu.memory_space<hbm>>
    tpu.enqueue_dma source(%arg11 : memref<128x128xf32, #tpu.memory_space<vmem>>) target(%dma_start3A_117 : memref<128x128xf32, #tpu.memory_space<hbm>>) target_semaphore(%arg18 : memref<!tpu.dma_semaphore, #tpu.memory_space<semaphore_mem>>)
    %multiple_of3A_118 = arith.constant 2048 : i32
    %multiple_of3A_119 = tpu.assume_multiple %multiple_of3A_118, 128 : i32
    %dma_wait3A_120 = tpu.memref_slice %arg9[%multiple_of3A_119] : memref<2560xi32, #tpu.memory_space<vmem>> -> memref<128xi32, #tpu.memory_space<vmem>>
    %dma_wait3A_121 = arith.constant 0 : i32
    %dma_wait3A_122 = arith.constant 0 : i32
    %dma_wait3A_123 = tpu.memref_slice %arg3[%dma_wait3A_121, %dma_wait3A_122] : memref<100000x128xf32, #tpu.memory_space<hbm>> -> memref<100000x128xf32, #tpu.memory_space<hbm>>
    tpu.wait_indirect_dma semaphore(%arg17 : memref<!tpu.dma_semaphore, #tpu.memory_space<semaphore_mem>>) src(%dma_wait3A_123 : memref<100000x128xf32, #tpu.memory_space<hbm>>) dst(%arg14 : memref<128x128xf32, #tpu.memory_space<vmem>>)
    %dma_start3A_124 = arith.constant 16 : i32
    %dma_start3A_125 = arith.constant 0 : i32
    %dma_start3A_126 = tpu.memref_slice %arg7[%dma_start3A_124, %multiple_of3A, %dma_start3A_125] : memref<20x4096x128xf32, #tpu.memory_space<hbm>> -> memref<1x128x128xf32, #tpu.memory_space<hbm>>
    %dma_start3A_127 = tpu.memref_squeeze %dma_start3A_126 : memref<1x128x128xf32, #tpu.memory_space<hbm>> -> memref<128x128xf32, #tpu.memory_space<hbm>>
    %dma_start3A_128 = arith.constant 0 : i32
    %dma_start3A_129 = tpu.memref_slice %arg7[%dma_start3A_124, %multiple_of3A, %dma_start3A_128] : memref<20x4096x128xf32, #tpu.memory_space<hbm>> -> memref<1x128x128xf32, #tpu.memory_space<hbm>>
    %dma_start3A_130 = tpu.memref_squeeze %dma_start3A_129 : memref<1x128x128xf32, #tpu.memory_space<hbm>> -> memref<128x128xf32, #tpu.memory_space<hbm>>
    tpu.enqueue_dma source(%arg14 : memref<128x128xf32, #tpu.memory_space<vmem>>) target(%dma_start3A_130 : memref<128x128xf32, #tpu.memory_space<hbm>>) target_semaphore(%arg19 : memref<!tpu.dma_semaphore, #tpu.memory_space<semaphore_mem>>)
    %dma_wait3A_131 = arith.constant 16 : i32
    %dma_wait3A_132 = arith.constant 0 : i32
    %dma_wait3A_133 = tpu.memref_slice %arg6[%dma_wait3A_131, %multiple_of3A, %dma_wait3A_132] : memref<20x4096x128xf32, #tpu.memory_space<hbm>> -> memref<1x128x128xf32, #tpu.memory_space<hbm>>
    %dma_wait3A_134 = tpu.memref_squeeze %dma_wait3A_133 : memref<1x128x128xf32, #tpu.memory_space<hbm>> -> memref<128x128xf32, #tpu.memory_space<hbm>>
    %dma_wait3A_135 = arith.constant 0 : i32
    %dma_wait3A_136 = tpu.memref_slice %arg6[%dma_wait3A_131, %multiple_of3A, %dma_wait3A_135] : memref<20x4096x128xf32, #tpu.memory_space<hbm>> -> memref<1x128x128xf32, #tpu.memory_space<hbm>>
    %dma_wait3A_137 = tpu.memref_squeeze %dma_wait3A_136 : memref<1x128x128xf32, #tpu.memory_space<hbm>> -> memref<128x128xf32, #tpu.memory_space<hbm>>
    tpu.wait_dma2 semaphore(%arg18 : memref<!tpu.dma_semaphore, #tpu.memory_space<semaphore_mem>>) src(%arg11 : memref<128x128xf32, #tpu.memory_space<vmem>>) dst(%dma_wait3A_137 : memref<128x128xf32, #tpu.memory_space<hbm>>)
    %dma_wait3A_138 = arith.constant 16 : i32
    %dma_wait3A_139 = arith.constant 0 : i32
    %dma_wait3A_140 = tpu.memref_slice %arg7[%dma_wait3A_138, %multiple_of3A, %dma_wait3A_139] : memref<20x4096x128xf32, #tpu.memory_space<hbm>> -> memref<1x128x128xf32, #tpu.memory_space<hbm>>
    %dma_wait3A_141 = tpu.memref_squeeze %dma_wait3A_140 : memref<1x128x128xf32, #tpu.memory_space<hbm>> -> memref<128x128xf32, #tpu.memory_space<hbm>>
    %dma_wait3A_142 = arith.constant 0 : i32
    %dma_wait3A_143 = tpu.memref_slice %arg7[%dma_wait3A_138, %multiple_of3A, %dma_wait3A_142] : memref<20x4096x128xf32, #tpu.memory_space<hbm>> -> memref<1x128x128xf32, #tpu.memory_space<hbm>>
    %dma_wait3A_144 = tpu.memref_squeeze %dma_wait3A_143 : memref<1x128x128xf32, #tpu.memory_space<hbm>> -> memref<128x128xf32, #tpu.memory_space<hbm>>
    tpu.wait_dma2 semaphore(%arg19 : memref<!tpu.dma_semaphore, #tpu.memory_space<semaphore_mem>>) src(%arg14 : memref<128x128xf32, #tpu.memory_space<vmem>>) dst(%dma_wait3A_144 : memref<128x128xf32, #tpu.memory_space<hbm>>)
    %multiple_of3A_145 = arith.constant 2432 : i32
    %multiple_of3A_146 = tpu.assume_multiple %multiple_of3A_145, 128 : i32
    %dma_start3A_147 = tpu.memref_slice %arg8[%multiple_of3A_146] : memref<2560xi32, #tpu.memory_space<vmem>> -> memref<128xi32, #tpu.memory_space<vmem>>
    %dma_start3A_148 = arith.constant 0 : i32
    %dma_start3A_149 = arith.constant 0 : i32
    %dma_start3A_150 = tpu.memref_slice %arg2[%dma_start3A_148, %dma_start3A_149] : memref<100000x128xf32, #tpu.memory_space<hbm>> -> memref<100000x128xf32, #tpu.memory_space<hbm>>
    tpu.enqueue_indirect_dma source(%dma_start3A_150 : memref<100000x128xf32, #tpu.memory_space<hbm>>) target(%arg11 : memref<128x128xf32, #tpu.memory_space<vmem>>) offsets(%dma_start3A_147 : memref<128xi32, #tpu.memory_space<vmem>>) semaphore(%arg16 : memref<!tpu.dma_semaphore, #tpu.memory_space<semaphore_mem>>)
    %multiple_of3A_151 = arith.constant 2432 : i32
    %multiple_of3A_152 = tpu.assume_multiple %multiple_of3A_151, 128 : i32
    %dma_start3A_153 = tpu.memref_slice %arg9[%multiple_of3A_152] : memref<2560xi32, #tpu.memory_space<vmem>> -> memref<128xi32, #tpu.memory_space<vmem>>
    %dma_start3A_154 = arith.constant 0 : i32
    %dma_start3A_155 = arith.constant 0 : i32
    %dma_start3A_156 = tpu.memref_slice %arg3[%dma_start3A_154, %dma_start3A_155] : memref<100000x128xf32, #tpu.memory_space<hbm>> -> memref<100000x128xf32, #tpu.memory_space<hbm>>
    tpu.enqueue_indirect_dma source(%dma_start3A_156 : memref<100000x128xf32, #tpu.memory_space<hbm>>) target(%arg14 : memref<128x128xf32, #tpu.memory_space<vmem>>) offsets(%dma_start3A_153 : memref<128xi32, #tpu.memory_space<vmem>>) semaphore(%arg17 : memref<!tpu.dma_semaphore, #tpu.memory_space<semaphore_mem>>)
    %multiple_of3A_157 = arith.constant 2176 : i32
    %multiple_of3A_158 = tpu.assume_multiple %multiple_of3A_157, 128 : i32
    %dma_wait3A_159 = tpu.memref_slice %arg8[%multiple_of3A_158] : memref<2560xi32, #tpu.memory_space<vmem>> -> memref<128xi32, #tpu.memory_space<vmem>>
    %dma_wait3A_160 = arith.constant 0 : i32
    %dma_wait3A_161 = arith.constant 0 : i32
    %dma_wait3A_162 = tpu.memref_slice %arg2[%dma_wait3A_160, %dma_wait3A_161] : memref<100000x128xf32, #tpu.memory_space<hbm>> -> memref<100000x128xf32, #tpu.memory_space<hbm>>
    tpu.wait_indirect_dma semaphore(%arg16 : memref<!tpu.dma_semaphore, #tpu.memory_space<semaphore_mem>>) src(%dma_wait3A_162 : memref<100000x128xf32, #tpu.memory_space<hbm>>) dst(%arg12 : memref<128x128xf32, #tpu.memory_space<vmem>>)
    %dma_start3A_163 = arith.constant 17 : i32
    %dma_start3A_164 = arith.constant 0 : i32
    %dma_start3A_165 = tpu.memref_slice %arg6[%dma_start3A_163, %multiple_of3A, %dma_start3A_164] : memref<20x4096x128xf32, #tpu.memory_space<hbm>> -> memref<1x128x128xf32, #tpu.memory_space<hbm>>
    %dma_start3A_166 = tpu.memref_squeeze %dma_start3A_165 : memref<1x128x128xf32, #tpu.memory_space<hbm>> -> memref<128x128xf32, #tpu.memory_space<hbm>>
    %dma_start3A_167 = arith.constant 0 : i32
    %dma_start3A_168 = tpu.memref_slice %arg6[%dma_start3A_163, %multiple_of3A, %dma_start3A_167] : memref<20x4096x128xf32, #tpu.memory_space<hbm>> -> memref<1x128x128xf32, #tpu.memory_space<hbm>>
    %dma_start3A_169 = tpu.memref_squeeze %dma_start3A_168 : memref<1x128x128xf32, #tpu.memory_space<hbm>> -> memref<128x128xf32, #tpu.memory_space<hbm>>
    tpu.enqueue_dma source(%arg12 : memref<128x128xf32, #tpu.memory_space<vmem>>) target(%dma_start3A_169 : memref<128x128xf32, #tpu.memory_space<hbm>>) target_semaphore(%arg18 : memref<!tpu.dma_semaphore, #tpu.memory_space<semaphore_mem>>)
    %multiple_of3A_170 = arith.constant 2176 : i32
    %multiple_of3A_171 = tpu.assume_multiple %multiple_of3A_170, 128 : i32
    %dma_wait3A_172 = tpu.memref_slice %arg9[%multiple_of3A_171] : memref<2560xi32, #tpu.memory_space<vmem>> -> memref<128xi32, #tpu.memory_space<vmem>>
    %dma_wait3A_173 = arith.constant 0 : i32
    %dma_wait3A_174 = arith.constant 0 : i32
    %dma_wait3A_175 = tpu.memref_slice %arg3[%dma_wait3A_173, %dma_wait3A_174] : memref<100000x128xf32, #tpu.memory_space<hbm>> -> memref<100000x128xf32, #tpu.memory_space<hbm>>
    tpu.wait_indirect_dma semaphore(%arg17 : memref<!tpu.dma_semaphore, #tpu.memory_space<semaphore_mem>>) src(%dma_wait3A_175 : memref<100000x128xf32, #tpu.memory_space<hbm>>) dst(%arg15 : memref<128x128xf32, #tpu.memory_space<vmem>>)
    %dma_start3A_176 = arith.constant 17 : i32
    %dma_start3A_177 = arith.constant 0 : i32
    %dma_start3A_178 = tpu.memref_slice %arg7[%dma_start3A_176, %multiple_of3A, %dma_start3A_177] : memref<20x4096x128xf32, #tpu.memory_space<hbm>> -> memref<1x128x128xf32, #tpu.memory_space<hbm>>
    %dma_start3A_179 = tpu.memref_squeeze %dma_start3A_178 : memref<1x128x128xf32, #tpu.memory_space<hbm>> -> memref<128x128xf32, #tpu.memory_space<hbm>>
    %dma_start3A_180 = arith.constant 0 : i32
    %dma_start3A_181 = tpu.memref_slice %arg7[%dma_start3A_176, %multiple_of3A, %dma_start3A_180] : memref<20x4096x128xf32, #tpu.memory_space<hbm>> -> memref<1x128x128xf32, #tpu.memory_space<hbm>>
    %dma_start3A_182 = tpu.memref_squeeze %dma_start3A_181 : memref<1x128x128xf32, #tpu.memory_space<hbm>> -> memref<128x128xf32, #tpu.memory_space<hbm>>
    tpu.enqueue_dma source(%arg15 : memref<128x128xf32, #tpu.memory_space<vmem>>) target(%dma_start3A_182 : memref<128x128xf32, #tpu.memory_space<hbm>>) target_semaphore(%arg19 : memref<!tpu.dma_semaphore, #tpu.memory_space<semaphore_mem>>)
    %dma_wait3A_183 = arith.constant 17 : i32
    %dma_wait3A_184 = arith.constant 0 : i32
    %dma_wait3A_185 = tpu.memref_slice %arg6[%dma_wait3A_183, %multiple_of3A, %dma_wait3A_184] : memref<20x4096x128xf32, #tpu.memory_space<hbm>> -> memref<1x128x128xf32, #tpu.memory_space<hbm>>
    %dma_wait3A_186 = tpu.memref_squeeze %dma_wait3A_185 : memref<1x128x128xf32, #tpu.memory_space<hbm>> -> memref<128x128xf32, #tpu.memory_space<hbm>>
    %dma_wait3A_187 = arith.constant 0 : i32
    %dma_wait3A_188 = tpu.memref_slice %arg6[%dma_wait3A_183, %multiple_of3A, %dma_wait3A_187] : memref<20x4096x128xf32, #tpu.memory_space<hbm>> -> memref<1x128x128xf32, #tpu.memory_space<hbm>>
    %dma_wait3A_189 = tpu.memref_squeeze %dma_wait3A_188 : memref<1x128x128xf32, #tpu.memory_space<hbm>> -> memref<128x128xf32, #tpu.memory_space<hbm>>
    tpu.wait_dma2 semaphore(%arg18 : memref<!tpu.dma_semaphore, #tpu.memory_space<semaphore_mem>>) src(%arg12 : memref<128x128xf32, #tpu.memory_space<vmem>>) dst(%dma_wait3A_189 : memref<128x128xf32, #tpu.memory_space<hbm>>)
    %dma_wait3A_190 = arith.constant 17 : i32
    %dma_wait3A_191 = arith.constant 0 : i32
    %dma_wait3A_192 = tpu.memref_slice %arg7[%dma_wait3A_190, %multiple_of3A, %dma_wait3A_191] : memref<20x4096x128xf32, #tpu.memory_space<hbm>> -> memref<1x128x128xf32, #tpu.memory_space<hbm>>
    %dma_wait3A_193 = tpu.memref_squeeze %dma_wait3A_192 : memref<1x128x128xf32, #tpu.memory_space<hbm>> -> memref<128x128xf32, #tpu.memory_space<hbm>>
    %dma_wait3A_194 = arith.constant 0 : i32
    %dma_wait3A_195 = tpu.memref_slice %arg7[%dma_wait3A_190, %multiple_of3A, %dma_wait3A_194] : memref<20x4096x128xf32, #tpu.memory_space<hbm>> -> memref<1x128x128xf32, #tpu.memory_space<hbm>>
    %dma_wait3A_196 = tpu.memref_squeeze %dma_wait3A_195 : memref<1x128x128xf32, #tpu.memory_space<hbm>> -> memref<128x128xf32, #tpu.memory_space<hbm>>
    tpu.wait_dma2 semaphore(%arg19 : memref<!tpu.dma_semaphore, #tpu.memory_space<semaphore_mem>>) src(%arg15 : memref<128x128xf32, #tpu.memory_space<vmem>>) dst(%dma_wait3A_196 : memref<128x128xf32, #tpu.memory_space<hbm>>)
    %multiple_of3A_197 = arith.constant 2304 : i32
    %multiple_of3A_198 = tpu.assume_multiple %multiple_of3A_197, 128 : i32
    %dma_wait3A_199 = tpu.memref_slice %arg8[%multiple_of3A_198] : memref<2560xi32, #tpu.memory_space<vmem>> -> memref<128xi32, #tpu.memory_space<vmem>>
    %dma_wait3A_200 = arith.constant 0 : i32
    %dma_wait3A_201 = arith.constant 0 : i32
    %dma_wait3A_202 = tpu.memref_slice %arg2[%dma_wait3A_200, %dma_wait3A_201] : memref<100000x128xf32, #tpu.memory_space<hbm>> -> memref<100000x128xf32, #tpu.memory_space<hbm>>
    tpu.wait_indirect_dma semaphore(%arg16 : memref<!tpu.dma_semaphore, #tpu.memory_space<semaphore_mem>>) src(%dma_wait3A_202 : memref<100000x128xf32, #tpu.memory_space<hbm>>) dst(%arg10 : memref<128x128xf32, #tpu.memory_space<vmem>>)
    %dma_start3A_203 = arith.constant 18 : i32
    %dma_start3A_204 = arith.constant 0 : i32
    %dma_start3A_205 = tpu.memref_slice %arg6[%dma_start3A_203, %multiple_of3A, %dma_start3A_204] : memref<20x4096x128xf32, #tpu.memory_space<hbm>> -> memref<1x128x128xf32, #tpu.memory_space<hbm>>
    %dma_start3A_206 = tpu.memref_squeeze %dma_start3A_205 : memref<1x128x128xf32, #tpu.memory_space<hbm>> -> memref<128x128xf32, #tpu.memory_space<hbm>>
    %dma_start3A_207 = arith.constant 0 : i32
    %dma_start3A_208 = tpu.memref_slice %arg6[%dma_start3A_203, %multiple_of3A, %dma_start3A_207] : memref<20x4096x128xf32, #tpu.memory_space<hbm>> -> memref<1x128x128xf32, #tpu.memory_space<hbm>>
    %dma_start3A_209 = tpu.memref_squeeze %dma_start3A_208 : memref<1x128x128xf32, #tpu.memory_space<hbm>> -> memref<128x128xf32, #tpu.memory_space<hbm>>
    tpu.enqueue_dma source(%arg10 : memref<128x128xf32, #tpu.memory_space<vmem>>) target(%dma_start3A_209 : memref<128x128xf32, #tpu.memory_space<hbm>>) target_semaphore(%arg18 : memref<!tpu.dma_semaphore, #tpu.memory_space<semaphore_mem>>)
    %multiple_of3A_210 = arith.constant 2304 : i32
    %multiple_of3A_211 = tpu.assume_multiple %multiple_of3A_210, 128 : i32
    %dma_wait3A_212 = tpu.memref_slice %arg9[%multiple_of3A_211] : memref<2560xi32, #tpu.memory_space<vmem>> -> memref<128xi32, #tpu.memory_space<vmem>>
    %dma_wait3A_213 = arith.constant 0 : i32
    %dma_wait3A_214 = arith.constant 0 : i32
    %dma_wait3A_215 = tpu.memref_slice %arg3[%dma_wait3A_213, %dma_wait3A_214] : memref<100000x128xf32, #tpu.memory_space<hbm>> -> memref<100000x128xf32, #tpu.memory_space<hbm>>
    tpu.wait_indirect_dma semaphore(%arg17 : memref<!tpu.dma_semaphore, #tpu.memory_space<semaphore_mem>>) src(%dma_wait3A_215 : memref<100000x128xf32, #tpu.memory_space<hbm>>) dst(%arg13 : memref<128x128xf32, #tpu.memory_space<vmem>>)
    %dma_start3A_216 = arith.constant 18 : i32
    %dma_start3A_217 = arith.constant 0 : i32
    %dma_start3A_218 = tpu.memref_slice %arg7[%dma_start3A_216, %multiple_of3A, %dma_start3A_217] : memref<20x4096x128xf32, #tpu.memory_space<hbm>> -> memref<1x128x128xf32, #tpu.memory_space<hbm>>
    %dma_start3A_219 = tpu.memref_squeeze %dma_start3A_218 : memref<1x128x128xf32, #tpu.memory_space<hbm>> -> memref<128x128xf32, #tpu.memory_space<hbm>>
    %dma_start3A_220 = arith.constant 0 : i32
    %dma_start3A_221 = tpu.memref_slice %arg7[%dma_start3A_216, %multiple_of3A, %dma_start3A_220] : memref<20x4096x128xf32, #tpu.memory_space<hbm>> -> memref<1x128x128xf32, #tpu.memory_space<hbm>>
    %dma_start3A_222 = tpu.memref_squeeze %dma_start3A_221 : memref<1x128x128xf32, #tpu.memory_space<hbm>> -> memref<128x128xf32, #tpu.memory_space<hbm>>
    tpu.enqueue_dma source(%arg13 : memref<128x128xf32, #tpu.memory_space<vmem>>) target(%dma_start3A_222 : memref<128x128xf32, #tpu.memory_space<hbm>>) target_semaphore(%arg19 : memref<!tpu.dma_semaphore, #tpu.memory_space<semaphore_mem>>)
    %dma_wait3A_223 = arith.constant 18 : i32
    %dma_wait3A_224 = arith.constant 0 : i32
    %dma_wait3A_225 = tpu.memref_slice %arg6[%dma_wait3A_223, %multiple_of3A, %dma_wait3A_224] : memref<20x4096x128xf32, #tpu.memory_space<hbm>> -> memref<1x128x128xf32, #tpu.memory_space<hbm>>
    %dma_wait3A_226 = tpu.memref_squeeze %dma_wait3A_225 : memref<1x128x128xf32, #tpu.memory_space<hbm>> -> memref<128x128xf32, #tpu.memory_space<hbm>>
    %dma_wait3A_227 = arith.constant 0 : i32
    %dma_wait3A_228 = tpu.memref_slice %arg6[%dma_wait3A_223, %multiple_of3A, %dma_wait3A_227] : memref<20x4096x128xf32, #tpu.memory_space<hbm>> -> memref<1x128x128xf32, #tpu.memory_space<hbm>>
    %dma_wait3A_229 = tpu.memref_squeeze %dma_wait3A_228 : memref<1x128x128xf32, #tpu.memory_space<hbm>> -> memref<128x128xf32, #tpu.memory_space<hbm>>
    tpu.wait_dma2 semaphore(%arg18 : memref<!tpu.dma_semaphore, #tpu.memory_space<semaphore_mem>>) src(%arg10 : memref<128x128xf32, #tpu.memory_space<vmem>>) dst(%dma_wait3A_229 : memref<128x128xf32, #tpu.memory_space<hbm>>)
    %dma_wait3A_230 = arith.constant 18 : i32
    %dma_wait3A_231 = arith.constant 0 : i32
    %dma_wait3A_232 = tpu.memref_slice %arg7[%dma_wait3A_230, %multiple_of3A, %dma_wait3A_231] : memref<20x4096x128xf32, #tpu.memory_space<hbm>> -> memref<1x128x128xf32, #tpu.memory_space<hbm>>
    %dma_wait3A_233 = tpu.memref_squeeze %dma_wait3A_232 : memref<1x128x128xf32, #tpu.memory_space<hbm>> -> memref<128x128xf32, #tpu.memory_space<hbm>>
    %dma_wait3A_234 = arith.constant 0 : i32
    %dma_wait3A_235 = tpu.memref_slice %arg7[%dma_wait3A_230, %multiple_of3A, %dma_wait3A_234] : memref<20x4096x128xf32, #tpu.memory_space<hbm>> -> memref<1x128x128xf32, #tpu.memory_space<hbm>>
    %dma_wait3A_236 = tpu.memref_squeeze %dma_wait3A_235 : memref<1x128x128xf32, #tpu.memory_space<hbm>> -> memref<128x128xf32, #tpu.memory_space<hbm>>
    tpu.wait_dma2 semaphore(%arg19 : memref<!tpu.dma_semaphore, #tpu.memory_space<semaphore_mem>>) src(%arg13 : memref<128x128xf32, #tpu.memory_space<vmem>>) dst(%dma_wait3A_236 : memref<128x128xf32, #tpu.memory_space<hbm>>)
    %multiple_of3A_237 = arith.constant 2432 : i32
    %multiple_of3A_238 = tpu.assume_multiple %multiple_of3A_237, 128 : i32
    %dma_wait3A_239 = tpu.memref_slice %arg8[%multiple_of3A_238] : memref<2560xi32, #tpu.memory_space<vmem>> -> memref<128xi32, #tpu.memory_space<vmem>>
    %dma_wait3A_240 = arith.constant 0 : i32
    %dma_wait3A_241 = arith.constant 0 : i32
    %dma_wait3A_242 = tpu.memref_slice %arg2[%dma_wait3A_240, %dma_wait3A_241] : memref<100000x128xf32, #tpu.memory_space<hbm>> -> memref<100000x128xf32, #tpu.memory_space<hbm>>
    tpu.wait_indirect_dma semaphore(%arg16 : memref<!tpu.dma_semaphore, #tpu.memory_space<semaphore_mem>>) src(%dma_wait3A_242 : memref<100000x128xf32, #tpu.memory_space<hbm>>) dst(%arg11 : memref<128x128xf32, #tpu.memory_space<vmem>>)
    %dma_start3A_243 = arith.constant 19 : i32
    %dma_start3A_244 = arith.constant 0 : i32
    %dma_start3A_245 = tpu.memref_slice %arg6[%dma_start3A_243, %multiple_of3A, %dma_start3A_244] : memref<20x4096x128xf32, #tpu.memory_space<hbm>> -> memref<1x128x128xf32, #tpu.memory_space<hbm>>
    %dma_start3A_246 = tpu.memref_squeeze %dma_start3A_245 : memref<1x128x128xf32, #tpu.memory_space<hbm>> -> memref<128x128xf32, #tpu.memory_space<hbm>>
    %dma_start3A_247 = arith.constant 0 : i32
    %dma_start3A_248 = tpu.memref_slice %arg6[%dma_start3A_243, %multiple_of3A, %dma_start3A_247] : memref<20x4096x128xf32, #tpu.memory_space<hbm>> -> memref<1x128x128xf32, #tpu.memory_space<hbm>>
    %dma_start3A_249 = tpu.memref_squeeze %dma_start3A_248 : memref<1x128x128xf32, #tpu.memory_space<hbm>> -> memref<128x128xf32, #tpu.memory_space<hbm>>
    tpu.enqueue_dma source(%arg11 : memref<128x128xf32, #tpu.memory_space<vmem>>) target(%dma_start3A_249 : memref<128x128xf32, #tpu.memory_space<hbm>>) target_semaphore(%arg18 : memref<!tpu.dma_semaphore, #tpu.memory_space<semaphore_mem>>)
    %multiple_of3A_250 = arith.constant 2432 : i32
    %multiple_of3A_251 = tpu.assume_multiple %multiple_of3A_250, 128 : i32
    %dma_wait3A_252 = tpu.memref_slice %arg9[%multiple_of3A_251] : memref<2560xi32, #tpu.memory_space<vmem>> -> memref<128xi32, #tpu.memory_space<vmem>>
    %dma_wait3A_253 = arith.constant 0 : i32
    %dma_wait3A_254 = arith.constant 0 : i32
    %dma_wait3A_255 = tpu.memref_slice %arg3[%dma_wait3A_253, %dma_wait3A_254] : memref<100000x128xf32, #tpu.memory_space<hbm>> -> memref<100000x128xf32, #tpu.memory_space<hbm>>
    tpu.wait_indirect_dma semaphore(%arg17 : memref<!tpu.dma_semaphore, #tpu.memory_space<semaphore_mem>>) src(%dma_wait3A_255 : memref<100000x128xf32, #tpu.memory_space<hbm>>) dst(%arg14 : memref<128x128xf32, #tpu.memory_space<vmem>>)
    %dma_start3A_256 = arith.constant 19 : i32
    %dma_start3A_257 = arith.constant 0 : i32
    %dma_start3A_258 = tpu.memref_slice %arg7[%dma_start3A_256, %multiple_of3A, %dma_start3A_257] : memref<20x4096x128xf32, #tpu.memory_space<hbm>> -> memref<1x128x128xf32, #tpu.memory_space<hbm>>
    %dma_start3A_259 = tpu.memref_squeeze %dma_start3A_258 : memref<1x128x128xf32, #tpu.memory_space<hbm>> -> memref<128x128xf32, #tpu.memory_space<hbm>>
    %dma_start3A_260 = arith.constant 0 : i32
    %dma_start3A_261 = tpu.memref_slice %arg7[%dma_start3A_256, %multiple_of3A, %dma_start3A_260] : memref<20x4096x128xf32, #tpu.memory_space<hbm>> -> memref<1x128x128xf32, #tpu.memory_space<hbm>>
    %dma_start3A_262 = tpu.memref_squeeze %dma_start3A_261 : memref<1x128x128xf32, #tpu.memory_space<hbm>> -> memref<128x128xf32, #tpu.memory_space<hbm>>
    tpu.enqueue_dma source(%arg14 : memref<128x128xf32, #tpu.memory_space<vmem>>) target(%dma_start3A_262 : memref<128x128xf32, #tpu.memory_space<hbm>>) target_semaphore(%arg19 : memref<!tpu.dma_semaphore, #tpu.memory_space<semaphore_mem>>)
    %dma_wait3A_263 = arith.constant 19 : i32
    %dma_wait3A_264 = arith.constant 0 : i32
    %dma_wait3A_265 = tpu.memref_slice %arg6[%dma_wait3A_263, %multiple_of3A, %dma_wait3A_264] : memref<20x4096x128xf32, #tpu.memory_space<hbm>> -> memref<1x128x128xf32, #tpu.memory_space<hbm>>
    %dma_wait3A_266 = tpu.memref_squeeze %dma_wait3A_265 : memref<1x128x128xf32, #tpu.memory_space<hbm>> -> memref<128x128xf32, #tpu.memory_space<hbm>>
    %dma_wait3A_267 = arith.constant 0 : i32
    %dma_wait3A_268 = tpu.memref_slice %arg6[%dma_wait3A_263, %multiple_of3A, %dma_wait3A_267] : memref<20x4096x128xf32, #tpu.memory_space<hbm>> -> memref<1x128x128xf32, #tpu.memory_space<hbm>>
    %dma_wait3A_269 = tpu.memref_squeeze %dma_wait3A_268 : memref<1x128x128xf32, #tpu.memory_space<hbm>> -> memref<128x128xf32, #tpu.memory_space<hbm>>
    tpu.wait_dma2 semaphore(%arg18 : memref<!tpu.dma_semaphore, #tpu.memory_space<semaphore_mem>>) src(%arg11 : memref<128x128xf32, #tpu.memory_space<vmem>>) dst(%dma_wait3A_269 : memref<128x128xf32, #tpu.memory_space<hbm>>)
    %dma_wait3A_270 = arith.constant 19 : i32
    %dma_wait3A_271 = arith.constant 0 : i32
    %dma_wait3A_272 = tpu.memref_slice %arg7[%dma_wait3A_270, %multiple_of3A, %dma_wait3A_271] : memref<20x4096x128xf32, #tpu.memory_space<hbm>> -> memref<1x128x128xf32, #tpu.memory_space<hbm>>
    %dma_wait3A_273 = tpu.memref_squeeze %dma_wait3A_272 : memref<1x128x128xf32, #tpu.memory_space<hbm>> -> memref<128x128xf32, #tpu.memory_space<hbm>>
    %dma_wait3A_274 = arith.constant 0 : i32
    %dma_wait3A_275 = tpu.memref_slice %arg7[%dma_wait3A_270, %multiple_of3A, %dma_wait3A_274] : memref<20x4096x128xf32, #tpu.memory_space<hbm>> -> memref<1x128x128xf32, #tpu.memory_space<hbm>>
    %dma_wait3A_276 = tpu.memref_squeeze %dma_wait3A_275 : memref<1x128x128xf32, #tpu.memory_space<hbm>> -> memref<128x128xf32, #tpu.memory_space<hbm>>
    tpu.wait_dma2 semaphore(%arg19 : memref<!tpu.dma_semaphore, #tpu.memory_space<semaphore_mem>>) src(%arg14 : memref<128x128xf32, #tpu.memory_space<vmem>>) dst(%dma_wait3A_276 : memref<128x128xf32, #tpu.memory_space<hbm>>)
    return
  }
}

</mosaic_0001>

<sc_bundles>
// kernel: kernel.3.cloned.1.call-start
scs
__scs_entry_jumppad:
0x0: {  	(pc) =	sbr.rel $0x88, $3  }
0x1: {  	(tag) =	ssettag $0x0;
	lr =	simm.s32 $0x1  }
0x2: {  	[smem:$0x3F9D] =	sst lr;
	_ =	strace $0xD0000000  }
0x3: {  	_ = 	snop  }
0x4: {  	_ = 	snop  }
0x5: {  	_ = 	snop  }
0x6: {  	_ = 	snop  }
0x7: {  	_ = 	snop  }
__scs_overlays_trampoline_lowered:
0x8: {  	[smem:$0x3FAC] =	sst s0  }
0x9: {  	[smem:$0x3FAD] =	sst s1  }
0xa: {  	[smem:$0x3FAE] =	sst s2  }
0xb: {  	[smem:$0x3FAF] =	sst s3  }
0xc: {  	[smem:$0x3FB0] =	sst s4  }
0xd: {  	[smem:$0x3FB1] =	sst s5  }
0xe: {  	[smem:$0x3FB2] =	sst s6  }
0xf: {  	[smem:$0x3FB3] =	sst s7  }
0x10: {  	[smem:$0x3FB4] =	sst s8  }
0x11: {  	[smem:$0x3FB5] =	sst s9;
	s0 =	simm.s32 @!p0 $0x0  }
0x12: {  	s1 =	sld [smem:$0x3F9B];
	s0 =	simm.s32 @p0 $0x1  }
0x13: {  	[smem:$0x3FB6] =	sst s0;
	s0 =	simm.s32 @!p1 $0x0  }
0x14: {  	s2 =	sld [smem:$0x3F9A];
	s0 =	simm.s32 @p1 $0x1  }
0x15: {  	[smem:$0x3FB7] =	sst s0;
	s0 =	simm.s32 @!p2 $0x0  }
0x16: {  	s3 =	sld [smem:$0x3FDB];
	s0 =	simm.s32 @p2 $0x1  }
0x17: {  	s4 =	simm.s32 $0x1BF5;
	[smem:$0x3FB9] =	sst s0  }
0x18: {  	s0 =	sld [smem:$0x3F9C];
	_ =	swait.ge [sflag:s4], $0x0  }
0x19: {  	s7 =	sld [smem:$0x3F9D]  }
0x1a: {  	s8 =	sadd.s32 $0xFFFFE003, lr  }
0x1b: {  	s9 =	sadd.s32 $0xFFFFFEF7, lr;
	s5 =	simm.s32 $0xFFFFFFFF;
	p2 =	slt.u32 s8, $0xFFFFF086  }
0x1c: {  	p1 =	slt.u32 s9, $0xF7A;
	s5 =	simm.s32 @!p2 $0x0  }
0x1d: {  	s5 =	simm.s32 @p1 $0x1;
	p0 =	seq.s32 s7, s2  }
0x1e: {  	s7 =	smul.u32 @!p0 $0xF7A, s2;
	p2 =	seq.s32 @!p0 s5, $0x0  }
0x1f: {  	s9 =	smul.u32 $0xF7A, s1;
	s8 =	simm.s32 @!p0 $0x1BF5;
	p2 =	por !p2, p0  }
0x20: {  	[sflag:s8] =	ssyncset.s32 @!p0 $0xFFFFF086;
	s6 =	sadd.s32 @!p0 s3, s7;
	s7 =	simm.s32 @!p0 $0x108  }
0x21: {  	s3 =	sadd.s32 s3, s9;
	s6 =	sadd.s32 @!p0 $0x88, s6;
	s7 =	simm.s32 @p2 $0x1082  }
0x22: {  	[simem:s7], [sflag:s8] =	dma.local @!p0 [hbm:s6], $0xF7A  }
0x23: {  	s9 =	sor.u32 $0xD0000000, s2;
	s6 =	simm.s32 $0x108;
	_ =	swait.ge @!p0 [sflag:s8], $0x0  }
0x24: {  	s3 =	sadd.s32 $0x88, s3;
	s6 =	simm.s32 @!p1 $0x1082;
	[sflag:s4] =	ssyncset.s32 $0xFFFFF086  }
0x25: {  	[simem:s6], [sflag:s4] =	dma.local [hbm:s3], $0xF7A  }
0x26: {  	[smem:$0x3F9D] =	sst s1;
	(tag) =	ssettag s2;
	_ =	strace s9  }
0x27: {  	s1 =	sld [smem:$0x3FAD]  }
0x28: {  	s2 =	sld [smem:$0x3FAE]  }
0x29: {  	s4 =	sld [smem:$0x3FB0]  }
0x2a: {  	p0 =	seq.s32 s5, $0x0;
	s5 =	sld [smem:$0x3FB1]  }
0x2b: {  	s6 =	sld [smem:$0x3FB2]  }
0x2c: {  	s7 =	sld [smem:$0x3FB3]  }
0x2d: {  	s3 =	simm.s32 $0x108;
	s8 =	sld [smem:$0x3FB4]  }
0x2e: {  	s3 =	simm.s32 @!p0 $0x1082;
	s9 =	sld [smem:$0x3FB5]  }
0x2f: {  	lr =	sadd.s32 s0, s3;
	s0 =	sld [smem:$0x3FAC]  }
0x30: {  	s3 =	sld [smem:$0x3FAF]  }
0x31: {  	[smem:$0x3FB8] =	sst s10  }
0x32: {  	s10 =	sld [smem:$0x3FB6];
	_ =	sdelay $0x3  }
0x33: {  	p0 =	seq.s32 s10, $0x1;
	s10 =	sld [smem:$0x3FB8];
	_ =	sdelay $0x3  }
0x34: {  	[smem:$0x3FB8] =	sst s10  }
0x35: {  	s10 =	sld [smem:$0x3FB7];
	_ =	sdelay $0x3  }
0x36: {  	p1 =	seq.s32 s10, $0x1;
	s10 =	sld [smem:$0x3FB8];
	_ =	sdelay $0x3  }
0x37: {  	[smem:$0x3FB8] =	sst s10  }
0x38: {  	s10 =	sld [smem:$0x3FB9]  }
0x39: {  	_ = 	snop;
	(pc) =	sbr.ind lr, $3  }
0x3a: {  	_ = 	snop  }
0x3b: {  	_ = 	snop  }
0x3c: {  	p2 =	seq.s32 s10, $0x1;
	s10 =	sld [smem:$0x3FB8]  }
0x3d: {  	_ =	shalt  }
0x3e: {  	_ =	shalt  }
0x3f: {  	_ =	shalt  }
0x40: {  	_ =	shalt  }
0x41: {  	_ =	shalt  }
0x42: {  	_ =	shalt  }
0x43: {  	_ =	shalt  }
0x44: {  	_ =	shalt  }
0x45: {  	_ =	shalt  }
0x46: {  	_ =	shalt  }
0x47: {  	_ =	shalt  }
0x48: {  	_ =	shalt  }
0x49: {  	_ =	shalt  }
0x4a: {  	_ =	shalt  }
0x4b: {  	_ =	shalt  }
0x4c: {  	_ =	shalt  }
0x4d: {  	_ =	shalt  }
0x4e: {  	_ =	shalt  }
0x4f: {  	_ =	shalt  }
0x50: {  	_ =	shalt  }
0x51: {  	_ =	shalt  }
0x52: {  	_ =	shalt  }
0x53: {  	_ =	shalt  }
0x54: {  	_ =	shalt  }
0x55: {  	_ =	shalt  }
0x56: {  	_ =	shalt  }
0x57: {  	_ =	shalt  }
0x58: {  	_ =	shalt  }
0x59: {  	_ =	shalt  }
0x5a: {  	_ =	shalt  }
0x5b: {  	_ =	shalt  }
0x5c: {  	_ =	shalt  }
0x5d: {  	_ =	shalt  }
0x5e: {  	_ =	shalt  }
0x5f: {  	_ =	shalt  }
0x60: {  	_ =	shalt  }
0x61: {  	_ =	shalt  }
0x62: {  	_ =	shalt  }
0x63: {  	_ =	shalt  }
0x64: {  	_ =	shalt  }
0x65: {  	_ =	shalt  }
0x66: {  	_ =	shalt  }
0x67: {  	_ =	shalt  }
0x68: {  	_ =	shalt  }
0x69: {  	_ =	shalt  }
0x6a: {  	_ =	shalt  }
0x6b: {  	_ =	shalt  }
0x6c: {  	_ =	shalt  }
0x6d: {  	_ =	shalt  }
0x6e: {  	_ =	shalt  }
0x6f: {  	_ =	shalt  }
0x70: {  	_ =	shalt  }
0x71: {  	_ =	shalt  }
0x72: {  	_ =	shalt  }
0x73: {  	_ =	shalt  }
0x74: {  	_ =	shalt  }
0x75: {  	_ =	shalt  }
0x76: {  	_ =	shalt  }
0x77: {  	_ =	shalt  }
0x78: {  	_ =	shalt  }
0x79: {  	_ =	shalt  }
0x7a: {  	_ =	shalt  }
0x7b: {  	_ =	shalt  }
0x7c: {  	_ =	shalt  }
0x7d: {  	_ =	shalt  }
0x7e: {  	_ =	shalt  }
0x7f: {  	_ =	shalt  }
0x80: {  	_ =	shalt  }
0x81: {  	_ =	shalt  }
0x82: {  	_ =	shalt  }
0x83: {  	_ =	shalt  }
0x84: {  	_ =	shalt  }
0x85: {  	_ =	shalt  }
0x86: {  	_ =	shalt  }
0x87: {  	_ =	shalt  }
.Lfunc_end0:
.L_simem_size_0:
called_computation_lowered:
.L_overlay_start_0:
0x88: {  	s2 =	sld [smem:$0x3FD9]  }
0x89: {  	s3 =	sld [smem:$0x3FFE];
	_ =	sdelay $0x1  }
0x8a: {  	s1 =	srdreg.scid  }
0x8b: {  	s0 =	sand.u32 $0x1, s1  }
0x8c: {  	s14 =	sshll.u32 s0, $0xA;
	s2 =	sadd.s32 s3, s2  }
0x8d: {  	s2 =	sadd.s32 s2, s14  }
0x8e: {  	[smem:$0x3FC4] =	sst s2  }
0x8f: {  	_ = 	snop  }
0x90: {  	s2 =	sld [smem:$0x3FD0];
	_ =	sdelay $0x1  }
0x91: {  	s15 =	sld [smem:$0x3FC7]  }
0x92: {  	s5 =	simm.s32 $0xA;
	s6 =	simm.s32 $0x10;
	s4 =	sld [smem:$0x3FC6]  }
0x93: {  	[smem:s6], [sflag:s5] =	dma.local [hbm:s2], $0x1  }
0x94: {  	_ =	swait.eq [sflag:s5], $0x1  }
0x95: {  	[sflag:s5] =	ssyncset.done $0x0  }
0x96: {  	s16 =	sld [smem:$0x10];
	[sflag:s5] =	ssyncadd.s32 $0xFFFFFFFF  }
0x97: {  	s17 =	sld [smem:$0x11];
	(tm) =	ssettm $0x1  }
0x98: {  	s18 =	sld [smem:$0x3FFB];
	_ =	sdelay $0x3  }
0x99: {  	_ =	strace s18  }
0x9a: {  	s6 =	sld [smem:$0x3FFC];
	_ =	sdelay $0x3  }
0x9b: {  	_ =	strace s6  }
0x9c: {  	s6 =	sld [smem:$0x3FFD];
	_ =	sdelay $0x3  }
0x9d: {  	_ =	strace s6  }
0x9e: {  	_ =	strace $0x8FFFFFFF  }
0x9f: {  	s19 =	sld [smem:$0x3FDB];
	_ =	sdelay $0x1  }
0xa0: {  	s7 =	simm.s32 $_scs_section_size  }
0xa1: {  	s8 =	simm.s32 $_size__tile_overlayer_lowered;
	s9 =	simm.s32 $_tile_overlayer_lowered  }
0xa2: {  	s22 =	simm.s32 $0x1BFF;
	s21 =	sshll.u32 s9, $0x1;
	s6 =	sadd.s32 s7, s19  }
0xa3: {  	s10 =	simm.s32 $0x0;
	s20 =	sshll.u32 s8, $0x1;
	s8 =	sadd.s32 s21, s6  }
0xa4: {  	[timem:s10], [sflag:s22] =	dma.local [hbm:s8], s20  }
0xa5: {  	_ =	swait.ge [sflag:s22], s20  }
0xa6: {  	s7 =	ssub.s32 $0x0, s20;
	[sflag:s22] =	ssyncset.done $0x0  }
0xa7: {  	[sflag:s22] =	ssyncadd.s32 s7;
	_ =	sdelay $0x1  }
0xa8: {  	s23 =	simm.s32 $0x1B8B  }
0xa9: {  	_ =	swait.ge [sflag:s23], $0x1  }
0xaa: {  	[sflag:s23] =	ssyncset.done $0x0  }
0xab: {  	s25 =	simm.s32 $0x1B8E;
	s24 =	sld [smem:$0x3FFE];
	[sflag:s23] =	ssyncadd.s32 $0xFFFFFFFF  }
0xac: {  	s26 =	simm.s32 $execute0_lowered;
	[smem:$0x3FD2] =	sst s25  }
0xad: {  	s8 =	sshll.u32 s26, $0x1;
	_ =	strace $0x80000046;
	[dreg:$0x1] =	wrdreg $0xFFFFFFFF  }
0xae: {  	s28 =	simm.s32 $_size_execute0_lowered;
	s6 =	sadd.s32 s6, s8;
	[dreg:$0x0] =	wrdreg $0x0  }
0xaf: {  	s8 =	sshll.u32 s28, $0x1;
	[dreg:$0x2] =	wrdreg s6  }
0xb0: {  	[dreg:$0x3] =	wrdreg s8  }
0xb1: {  	[dreg:$0x4] =	wrdreg $0xC0  }
0xb2: {  	_ =	task [dreg:s10], $0x5FFFF  }
0xb3: {  	[dreg:$0x1] =	wrdreg $0xFFFFFFFF  }
0xb4: {  	[dreg:$0x0] =	wrdreg $0x60  }
0xb5: {  	[dreg:$0x2] =	wrdreg s15  }
0xb6: {  	[dreg:$0x3] =	wrdreg s4  }
0xb7: {  	[dreg:$0x4] =	wrdreg s24  }
0xb8: {  	[dreg:$0x5] =	wrdreg s16  }
0xb9: {  	[dreg:$0x6] =	wrdreg s17  }
0xba: {  	[dreg:$0x7] =	wrdreg $0x9  }
0xbb: {  	_ =	task.clear_ibuf [dreg:s10], $0x8FFFF;
	_ =	strace $0x90000046  }
0xbc: {  	s29 =	simm.s32 $0x9;
	_ =	strace $0x80000048  }
0xbd: {  	_ =	swait.ge [sflag:s29], $0x1  }
0xbe: {  	[sflag:s29] =	ssyncadd.s32 $0xFFFFFFFF  }
0xbf: {  	_ =	strace $0x90000048  }
0xc0: {  	_ =	sfence  }
0xc1: {  	s30 =	sld [smem:$0x0];
	_ =	sdelay $0x2  }
0xc2: {  	s31 =	sshll.u32 s1, $0xD;
	s1 =	sshrl.u32 s1, $0x2  }
0xc3: {  	s3 =	sand.u32 $0x4000, s31;
	s1 =	sadd.s32 s1, s30  }
0xc4: {  	s0 =	sor.u32 s3, s0;
	s1 =	sshll.u32 s1, $0x11  }
0xc5: {  	s0 =	sor.u32 s1, s0  }
0xc6: {  	s0 =	sadd.s32 $0x8F2B, s0  }
0xc7: {  	[sflag:s0] =	ssyncadd.remote.s32 $0x1  }
0xc8: {  	_ =	sfence.sel $0xFFFF  }
0xc9: {  	[dreg:$0x0] =	wrdreg $0xFFFFFFFF;
	(pc) =	sbr.abs _section_cstart, $3  }
0xca: {  	[dreg:$0x1] =	wrdreg $0xFFFFFFFF  }
0xcb: {  	_ =	task.clear_ibuf [dreg:s10], $0x2FFFF;
	_ =	strace $0x9FFFFFFF  }
0xcc: {  	(tm) =	ssettm $0x7FFFFFFF  }
0xcd: {  	_ =	shalt  }
tec
execute0_lowered:
.L_overlay_start_1:
0x0: {  	(tag) =	ssettag $0x1  }
0x1: {  	s0 =	rddreg [dreg:$0x0]  }
0x2: {  	s2 =	rddreg [dreg:$0x1]  }
0x3: {  	s1 =	rddreg [dreg:$0x2]  }
0x4: {  	s4 =	rddreg [dreg:$0x3]  }
0x5: {  	s3 =	srdreg.scid;
	s11 =	stileid.u32  }
0x6: {  	s5 =	rddreg [dreg:$0x4];
	s6 =	simm.s32 $0x0;
	s28 =	simm.s32 $0x1400  }
0x7: {  	s29 =	simm.s32 $0xD400;
	s30 =	simm.s32 $0x5400;
	s31 =	simm.s32 $0x9400  }
0x8: {  	s3 =	sand.u32 $0x1, s3;
	s7 =	sshll.u32 s11, $0x1;
	[smem:$0x7FF] =	sst s6  }
0x9: {  	s25 =	sshll.u32 s11, $0xF;
	s7 =	sor.u32 s3, s7;
	s9 =	ssub.s32 $0x2, s3  }
0xa: {  	_ =	strace $0x80000047;
	s3 =	sshll.u32 s3, $0xE;
	s8 =	smul.u32 $0x140, s7  }
0xb: {  	s10 =	sshrl.u32 s9, $0x1;
	s7 =	sshll.u32 s7, $0xB;
	s3 =	sor.u32 s3, s25  }
0xc: {  	s25 =	simm.s32 $0x2;
	s14 =	ssub.s32 s9, s10;
	s16 =	sor.u32 $0x100000, s7  }
0xd: {  	s17 =	sadd.s32 s4, s7;
	s18 =	sadd.s32 s5, s7;
	s20 =	sor.u32 $0x110000, s7  }
0xe: {  	s21 =	sor.u32 $0x120000, s7;
	s24 =	sor.u32 $0x130000, s7;
	s26 =	sor.u32 $0x100000, s3  }
0xf: {  	s7 =	sor.u32 $0x80000, s3;
	s9 =	simm.s32 $0x0;
	[dreg:$0x8] =	wrdreg s17  }
0x10: {  	s1 =	sadd.s32 s8, s1;
	[dreg:$0x9] =	wrdreg s18;
	s19 =	sadd.s32 s4, s16  }
0x11: {  	s22 =	sadd.s32 s4, s20;
	s23 =	sadd.s32 s4, s21;
	s17 =	sadd.s32 s4, s24  }
0x12: {  	s18 =	sadd.s32 s5, s24;
	s24 =	simm.s32 $0x1;
	[dreg:$0xa] =	wrdreg s19  }
0x13: {  	s8 =	simm.s32 $0x4;
	s15 =	sadd.s32 $0x800, s1;
	[dreg:$0xc] =	wrdreg s22  }
0x14: {  	s1 =	sadd.s32 $0x3000, s1;
	[dreg:$0xe] =	wrdreg s23;
	s19 =	smax.u32 s14, $0x1  }
0x15: {  	s22 =	sor.u32 $0x180000, s3;
	s23 =	simm.s32 $0xA00;
	[dreg:$0x6] =	wrdreg s15  }
0x16: {  	s3 =	simm.s32 $0x11400;
	[dreg:$0x7] =	wrdreg s1;
	s1 =	sadd.s32 s5, s16  }
0x17: {  	s16 =	sadd.s32 s5, s21;
	s21 =	sshrl.u32 s7, $0x3;
	s7 =	simm.s32 $0x3  }
0x18: {  	[dreg:$0xb] =	wrdreg s1;
	s1 =	sadd.s32 s5, s20;
	s20 =	sshrl.u32 s26, $0x3  }
0x19: {  	s26 =	simm.s32 $0x80;
	[dreg:$0xd] =	wrdreg s1;
	s1 =	simm.s32 $0x15400  }
.LBB2_1:
0x1a: {  	s10 =	rddreg [dreg:$0x6]  }
0x1b: {  	[tilespmem:s6], [sflag:$0x1] =	stream.linear.gather [hbm4b:s10+s6], $0xA00, $0x38;
	[tilespmem:$0x19400] =	vst v63  }
0x1c: {  	s14 =	rddreg [dreg:$0x7]  }
0x1d: {  	[tilespmem:s23], [sflag:$0x2] =	stream.linear.gather [hbm4b:s14+s6], $0xA00, $0x38;
	[tilespmem:$0x19400] =	vst v63  }
0x1e: {  	_ =	swait.ge [sflag:s24], $0xA00  }
0x1f: {  	[sflag:s24] =	ssyncset.done $0x0  }
0x20: {  	[sflag:s24] =	ssyncadd.s32 $0xFFFFF600  }
0x21: {  	_ =	swait.ge [sflag:s25], $0xA00  }
0x22: {  	[sflag:s25] =	ssyncset.done $0x0  }
0x23: {  	[sflag:s25] =	ssyncadd.s32 $0xFFFFF600  }
0x24: {  	[tilespmem:s28], [sflag:$0x1] =	stream.indirect.gather [hbm4b:s0+s26], $0x80, s6, s26, $0xb8;
	[tilespmem:$0x19400] =	vst v63  }
0x25: {  	_ = 	snop  }
0x26: {  	[tilespmem:s29], [sflag:$0x2] =	stream.indirect.gather [hbm4b:s2+s26], $0x80, s23, s26, $0xb8;
	[tilespmem:$0x19400] =	vst v63  }
0x27: {  	_ = 	snop  }
0x28: {  	[tilespmem:s30], [sflag:$0x1] =	stream.indirect.gather [hbm4b:s0+s26], $0x80, s26, s26, $0xb8;
	[tilespmem:$0x19400] =	vst v63  }
0x29: {  	s15 =	simm.s32 $0xA80  }
0x2a: {  	[tilespmem:s3], [sflag:$0x2] =	stream.indirect.gather [hbm4b:s2+s26], $0x80, s15, s26, $0xb8;
	[tilespmem:$0x19400] =	vst v63  }
0x2b: {  	s11 =	simm.s32 $0x100  }
0x2c: {  	[tilespmem:s31], [sflag:$0x1] =	stream.indirect.gather [hbm4b:s0+s26], $0x80, s11, s26, $0xb8;
	[tilespmem:$0x19400] =	vst v63  }
0x2d: {  	s12 =	simm.s32 $0xB00  }
0x2e: {  	[tilespmem:s1], [sflag:$0x2] =	stream.indirect.gather [hbm4b:s2+s26], $0x80, s12, s26, $0xb8;
	[tilespmem:$0x19400] =	vst v63  }
0x2f: {  	_ =	swait.ge [sflag:s24], $0x4000  }
0x30: {  	[sflag:s24] =	ssyncset.done $0x0  }
0x31: {  	s13 =	rddreg [dreg:$0x8];
	[sflag:s24] =	ssyncadd.s32 $0xFFFFC000  }
0x32: {  	[hbm4b:s13+s6] =	stream.linear.scatter [tilespmem:s28], [sflag:$0x3], $0x4000, $0x38;
	[tilespmem:$0x19400] =	vst v63  }
0x33: {  	_ =	swait.ge [sflag:s25], $0x4000  }
0x34: {  	[sflag:s25] =	ssyncset.done $0x0  }
0x35: {  	s14 =	rddreg [dreg:$0x9];
	[sflag:s25] =	ssyncadd.s32 $0xFFFFC000  }
0x36: {  	[hbm4b:s14+s6] =	stream.linear.scatter [tilespmem:s29], [sflag:$0x4], $0x4000, $0x38;
	[tilespmem:$0x19400] =	vst v63  }
0x37: {  	_ =	swait.ge [sflag:s7], $0x4000  }
0x38: {  	[sflag:s7] =	ssyncset.done $0x0  }
0x39: {  	[sflag:s7] =	ssyncadd.s32 $0xFFFFC000  }
0x3a: {  	_ =	swait.ge [sflag:s8], $0x4000  }
0x3b: {  	[sflag:s8] =	ssyncset.done $0x0  }
0x3c: {  	s15 =	simm.s32 $0x180;
	[sflag:s8] =	ssyncadd.s32 $0xFFFFC000  }
0x3d: {  	[tilespmem:s28], [sflag:$0x1] =	stream.indirect.gather [hbm4b:s0+s26], $0x80, s15, s26, $0xb8;
	[tilespmem:$0x19400] =	vst v63  }
0x3e: {  	s11 =	simm.s32 $0xB80  }
0x3f: {  	[tilespmem:s29], [sflag:$0x2] =	stream.indirect.gather [hbm4b:s2+s26], $0x80, s11, s26, $0xb8;
	[tilespmem:$0x19400] =	vst v63  }
0x40: {  	_ =	swait.ge [sflag:s24], $0x4000  }
0x41: {  	[sflag:s24] =	ssyncset.done $0x0  }
0x42: {  	s12 =	sadd.s32 s4, s21;
	[sflag:s24] =	ssyncadd.s32 $0xFFFFC000  }
0x43: {  	[hbm4b:s12+s6] =	stream.linear.scatter [tilespmem:s30], [sflag:$0x3], $0x4000, $0x38;
	[tilespmem:$0x19400] =	vst v63  }
0x44: {  	_ =	swait.ge [sflag:s25], $0x4000  }
0x45: {  	[sflag:s25] =	ssyncset.done $0x0  }
0x46: {  	s13 =	sadd.s32 s5, s21;
	[sflag:s25] =	ssyncadd.s32 $0xFFFFC000  }
0x47: {  	[hbm4b:s13+s6] =	stream.linear.scatter [tilespmem:s3], [sflag:$0x4], $0x4000, $0x38;
	[tilespmem:$0x19400] =	vst v63  }
0x48: {  	_ =	swait.ge [sflag:s7], $0x4000  }
0x49: {  	[sflag:s7] =	ssyncset.done $0x0  }
0x4a: {  	[sflag:s7] =	ssyncadd.s32 $0xFFFFC000  }
0x4b: {  	_ =	swait.ge [sflag:s8], $0x4000  }
0x4c: {  	[sflag:s8] =	ssyncset.done $0x0  }
0x4d: {  	s14 =	simm.s32 $0x200;
	[sflag:s8] =	ssyncadd.s32 $0xFFFFC000  }
0x4e: {  	[tilespmem:s30], [sflag:$0x1] =	stream.indirect.gather [hbm4b:s0+s26], $0x80, s14, s26, $0xb8;
	[tilespmem:$0x19400] =	vst v63  }
0x4f: {  	s15 =	simm.s32 $0xC00  }
0x50: {  	[tilespmem:s3], [sflag:$0x2] =	stream.indirect.gather [hbm4b:s2+s26], $0x80, s15, s26, $0xb8;
	[tilespmem:$0x19400] =	vst v63  }
0x51: {  	_ =	swait.ge [sflag:s24], $0x4000  }
0x52: {  	[sflag:s24] =	ssyncset.done $0x0  }
0x53: {  	s11 =	sadd.s32 s4, s20;
	[sflag:s24] =	ssyncadd.s32 $0xFFFFC000  }
0x54: {  	[hbm4b:s11+s6] =	stream.linear.scatter [tilespmem:s31], [sflag:$0x3], $0x4000, $0x38;
	[tilespmem:$0x19400] =	vst v63  }
0x55: {  	_ =	swait.ge [sflag:s25], $0x4000  }
0x56: {  	[sflag:s25] =	ssyncset.done $0x0  }
0x57: {  	s12 =	sadd.s32 s5, s20;
	[sflag:s25] =	ssyncadd.s32 $0xFFFFC000  }
0x58: {  	[hbm4b:s12+s6] =	stream.linear.scatter [tilespmem:s1], [sflag:$0x4], $0x4000, $0x38;
	[tilespmem:$0x19400] =	vst v63  }
0x59: {  	_ =	swait.ge [sflag:s7], $0x4000  }
0x5a: {  	[sflag:s7] =	ssyncset.done $0x0  }
0x5b: {  	[sflag:s7] =	ssyncadd.s32 $0xFFFFC000  }
0x5c: {  	_ =	swait.ge [sflag:s8], $0x4000  }
0x5d: {  	[sflag:s8] =	ssyncset.done $0x0  }
0x5e: {  	s13 =	simm.s32 $0x280;
	[sflag:s8] =	ssyncadd.s32 $0xFFFFC000  }
0x5f: {  	[tilespmem:s31], [sflag:$0x1] =	stream.indirect.gather [hbm4b:s0+s26], $0x80, s13, s26, $0xb8;
	[tilespmem:$0x19400] =	vst v63  }
0x60: {  	s14 =	simm.s32 $0xC80  }
0x61: {  	[tilespmem:s1], [sflag:$0x2] =	stream.indirect.gather [hbm4b:s2+s26], $0x80, s14, s26, $0xb8;
	[tilespmem:$0x19400] =	vst v63  }
0x62: {  	_ =	swait.ge [sflag:s24], $0x4000  }
0x63: {  	s13 =	sshrl.u32 s22, $0x3;
	[sflag:s24] =	ssyncset.done $0x0  }
0x64: {  	s15 =	sadd.s32 s4, s13;
	[sflag:s24] =	ssyncadd.s32 $0xFFFFC000  }
0x65: {  	[hbm4b:s15+s6] =	stream.linear.scatter [tilespmem:s28], [sflag:$0x3], $0x4000, $0x38;
	[tilespmem:$0x19400] =	vst v63  }
0x66: {  	s10 =	simm.s32 $0x600;
	_ =	swait.ge [sflag:s25], $0x4000  }
0x67: {  	s11 =	sadd.s32 $0x30000, s4;
	s12 =	sadd.s32 $0x180000, s22;
	[sflag:s25] =	ssyncset.done $0x0  }
0x68: {  	s14 =	sadd.s32 s5, s13;
	s13 =	sadd.s32 $0x30000, s5;
	[sflag:s25] =	ssyncadd.s32 $0xFFFFC000  }
.LBB2_2:
0x69: {  	[hbm4b:s14+s6] =	stream.linear.scatter [tilespmem:s29], [sflag:$0x4], $0x4000, $0x38;
	[tilespmem:$0x19400] =	vst v63  }
0x6a: {  	s14 =	smov.u32 s10  }
0x6b: {  	p0 =	sne.s32 s10, $0x1800;
	s10 =	sadd.s32 $0x600, s10;
	_ =	swait.ge [sflag:s7], $0x4000  }
0x6c: {  	[sflag:s7] =	ssyncset.done $0x0  }
0x6d: {  	[sflag:s7] =	ssyncadd.s32 $0xFFFFC000  }
0x6e: {  	_ =	swait.ge [sflag:s8], $0x4000  }
0x6f: {  	s14 =	sshra.s32 s14, $0x2;
	[sflag:s8] =	ssyncset.done $0x0  }
0x70: {  	s15 =	sadd.s32 $0x180, s14;
	[sflag:s8] =	ssyncadd.s32 $0xFFFFC000  }
0x71: {  	[tilespmem:s28], [sflag:$0x1] =	stream.indirect.gather [hbm4b:s0+s26], $0x80, s15, s26, $0xb8;
	[tilespmem:$0x19400] =	vst v63  }
0x72: {  	s15 =	sadd.s32 $0xB80, s14  }
0x73: {  	[tilespmem:s29], [sflag:$0x2] =	stream.indirect.gather [hbm4b:s2+s26], $0x80, s15, s26, $0xb8;
	[tilespmem:$0x19400] =	vst v63  }
0x74: {  	_ =	swait.ge [sflag:s24], $0x4000  }
0x75: {  	[sflag:s24] =	ssyncset.done $0x0  }
0x76: {  	s15 =	sadd.s32 s11, s21;
	[sflag:s24] =	ssyncadd.s32 $0xFFFFC000  }
0x77: {  	[hbm4b:s15+s6] =	stream.linear.scatter [tilespmem:s30], [sflag:$0x3], $0x4000, $0x38;
	[tilespmem:$0x19400] =	vst v63  }
0x78: {  	_ =	swait.ge [sflag:s25], $0x4000  }
0x79: {  	[sflag:s25] =	ssyncset.done $0x0  }
0x7a: {  	s15 =	sadd.s32 s13, s21;
	[sflag:s25] =	ssyncadd.s32 $0xFFFFC000  }
0x7b: {  	[hbm4b:s15+s6] =	stream.linear.scatter [tilespmem:s3], [sflag:$0x4], $0x4000, $0x38;
	[tilespmem:$0x19400] =	vst v63  }
0x7c: {  	_ =	swait.ge [sflag:s7], $0x4000  }
0x7d: {  	[sflag:s7] =	ssyncset.done $0x0  }
0x7e: {  	[sflag:s7] =	ssyncadd.s32 $0xFFFFC000  }
0x7f: {  	_ =	swait.ge [sflag:s8], $0x4000  }
0x80: {  	[sflag:s8] =	ssyncset.done $0x0  }
0x81: {  	s15 =	sadd.s32 $0x200, s14;
	[sflag:s8] =	ssyncadd.s32 $0xFFFFC000  }
0x82: {  	[tilespmem:s30], [sflag:$0x1] =	stream.indirect.gather [hbm4b:s0+s26], $0x80, s15, s26, $0xb8;
	[tilespmem:$0x19400] =	vst v63  }
0x83: {  	s15 =	sadd.s32 $0xC00, s14  }
0x84: {  	[tilespmem:s3], [sflag:$0x2] =	stream.indirect.gather [hbm4b:s2+s26], $0x80, s15, s26, $0xb8;
	[tilespmem:$0x19400] =	vst v63  }
0x85: {  	_ =	swait.ge [sflag:s24], $0x4000  }
0x86: {  	[sflag:s24] =	ssyncset.done $0x0  }
0x87: {  	s15 =	sadd.s32 s11, s20;
	[sflag:s24] =	ssyncadd.s32 $0xFFFFC000  }
0x88: {  	[hbm4b:s15+s6] =	stream.linear.scatter [tilespmem:s31], [sflag:$0x3], $0x4000, $0x38;
	[tilespmem:$0x19400] =	vst v63  }
0x89: {  	_ =	swait.ge [sflag:s25], $0x4000  }
0x8a: {  	[sflag:s25] =	ssyncset.done $0x0  }
0x8b: {  	s15 =	sadd.s32 s13, s20;
	[sflag:s25] =	ssyncadd.s32 $0xFFFFC000  }
0x8c: {  	[hbm4b:s15+s6] =	stream.linear.scatter [tilespmem:s1], [sflag:$0x4], $0x4000, $0x38;
	[tilespmem:$0x19400] =	vst v63  }
0x8d: {  	_ =	swait.ge [sflag:s7], $0x4000  }
0x8e: {  	[sflag:s7] =	ssyncset.done $0x0  }
0x8f: {  	[sflag:s7] =	ssyncadd.s32 $0xFFFFC000  }
0x90: {  	_ =	swait.ge [sflag:s8], $0x4000  }
0x91: {  	[sflag:s8] =	ssyncset.done $0x0  }
0x92: {  	s15 =	sadd.s32 $0x280, s14;
	[sflag:s8] =	ssyncadd.s32 $0xFFFFC000  }
0x93: {  	[tilespmem:s31], [sflag:$0x1] =	stream.indirect.gather [hbm4b:s0+s26], $0x80, s15, s26, $0xb8;
	[tilespmem:$0x19400] =	vst v63  }
0x94: {  	s14 =	sadd.s32 $0xC80, s14  }
0x95: {  	[tilespmem:s1], [sflag:$0x2] =	stream.indirect.gather [hbm4b:s2+s26], $0x80, s14, s26, $0xb8;
	[tilespmem:$0x19400] =	vst v63  }
0x96: {  	_ =	swait.ge [sflag:s24], $0x4000  }
0x97: {  	s14 =	sshrl.u32 s12, $0x3;
	[sflag:s24] =	ssyncset.done $0x0  }
.Ltmp0:
0x98: {  	s15 =	sadd.s32 s4, s14;
	[sflag:s24] =	ssyncadd.s32 $0xFFFFC000;
	(pc) =	sbr.rel @p0 .LBB2_2-.Ltmp0, $4  }
0x99: {  	[hbm4b:s15+s6] =	stream.linear.scatter [tilespmem:s28], [sflag:$0x3], $0x4000, $0x38;
	[tilespmem:$0x19400] =	vst v63  }
0x9a: {  	_ =	swait.ge [sflag:s25], $0x4000  }
0x9b: {  	s11 =	sadd.s32 $0x30000, s11;
	s12 =	sadd.s32 $0x180000, s12;
	[sflag:s25] =	ssyncset.done $0x0  }
0x9c: {  	s13 =	sadd.s32 $0x30000, s13;
	s14 =	sadd.s32 s5, s14;
	[sflag:s25] =	ssyncadd.s32 $0xFFFFC000  }
0x9d: {  	[hbm4b:s14+s6] =	stream.linear.scatter [tilespmem:s29], [sflag:$0x4], $0x4000, $0x38;
	[tilespmem:$0x19400] =	vst v63  }
0x9e: {  	_ =	swait.ge [sflag:s7], $0x4000  }
0x9f: {  	[sflag:s7] =	ssyncset.done $0x0  }
0xa0: {  	[sflag:s7] =	ssyncadd.s32 $0xFFFFC000  }
0xa1: {  	_ =	swait.ge [sflag:s8], $0x4000  }
0xa2: {  	[sflag:s8] =	ssyncset.done $0x0  }
0xa3: {  	s10 =	simm.s32 $0x900;
	[sflag:s8] =	ssyncadd.s32 $0xFFFFC000  }
0xa4: {  	[tilespmem:s28], [sflag:$0x1] =	stream.indirect.gather [hbm4b:s0+s26], $0x80, s10, s26, $0xb8;
	[tilespmem:$0x19400] =	vst v63  }
0xa5: {  	s13 =	simm.s32 $0x1300  }
0xa6: {  	[tilespmem:s29], [sflag:$0x2] =	stream.indirect.gather [hbm4b:s2+s26], $0x80, s13, s26, $0xb8;
	[tilespmem:$0x19400] =	vst v63  }
0xa7: {  	_ =	swait.ge [sflag:s24], $0x4000  }
0xa8: {  	[sflag:s24] =	ssyncset.done $0x0  }
0xa9: {  	s14 =	rddreg [dreg:$0xa];
	[sflag:s24] =	ssyncadd.s32 $0xFFFFC000  }
0xaa: {  	[hbm4b:s14+s6] =	stream.linear.scatter [tilespmem:s30], [sflag:$0x3], $0x4000, $0x38;
	[tilespmem:$0x19400] =	vst v63  }
0xab: {  	_ =	swait.ge [sflag:s25], $0x4000  }
0xac: {  	[sflag:s25] =	ssyncset.done $0x0  }
0xad: {  	s15 =	rddreg [dreg:$0xb];
	[sflag:s25] =	ssyncadd.s32 $0xFFFFC000  }
0xae: {  	[hbm4b:s15+s6] =	stream.linear.scatter [tilespmem:s3], [sflag:$0x4], $0x4000, $0x38;
	[tilespmem:$0x19400] =	vst v63  }
0xaf: {  	_ =	swait.ge [sflag:s7], $0x4000  }
0xb0: {  	[sflag:s7] =	ssyncset.done $0x0  }
0xb1: {  	[sflag:s7] =	ssyncadd.s32 $0xFFFFC000  }
0xb2: {  	_ =	swait.ge [sflag:s8], $0x4000  }
0xb3: {  	[sflag:s8] =	ssyncset.done $0x0  }
0xb4: {  	s11 =	simm.s32 $0x980;
	[sflag:s8] =	ssyncadd.s32 $0xFFFFC000  }
0xb5: {  	[tilespmem:s30], [sflag:$0x1] =	stream.indirect.gather [hbm4b:s0+s26], $0x80, s11, s26, $0xb8;
	[tilespmem:$0x19400] =	vst v63  }
0xb6: {  	s12 =	simm.s32 $0x1380  }
0xb7: {  	[tilespmem:s3], [sflag:$0x2] =	stream.indirect.gather [hbm4b:s2+s26], $0x80, s12, s26, $0xb8;
	[tilespmem:$0x19400] =	vst v63  }
0xb8: {  	_ =	swait.ge [sflag:s24], $0x4000  }
0xb9: {  	[sflag:s24] =	ssyncset.done $0x0  }
0xba: {  	s13 =	rddreg [dreg:$0xc];
	[sflag:s24] =	ssyncadd.s32 $0xFFFFC000  }
0xbb: {  	[hbm4b:s13+s6] =	stream.linear.scatter [tilespmem:s31], [sflag:$0x3], $0x4000, $0x38;
	[tilespmem:$0x19400] =	vst v63  }
0xbc: {  	_ =	swait.ge [sflag:s25], $0x4000  }
0xbd: {  	[sflag:s25] =	ssyncset.done $0x0  }
0xbe: {  	s14 =	rddreg [dreg:$0xd];
	[sflag:s25] =	ssyncadd.s32 $0xFFFFC000  }
0xbf: {  	[hbm4b:s14+s6] =	stream.linear.scatter [tilespmem:s1], [sflag:$0x4], $0x4000, $0x38;
	[tilespmem:$0x19400] =	vst v63  }
0xc0: {  	_ =	swait.ge [sflag:s7], $0x4000  }
0xc1: {  	[sflag:s7] =	ssyncset.done $0x0  }
0xc2: {  	[sflag:s7] =	ssyncadd.s32 $0xFFFFC000  }
0xc3: {  	_ =	swait.ge [sflag:s8], $0x4000  }
0xc4: {  	[sflag:s8] =	ssyncset.done $0x0  }
0xc5: {  	[sflag:s8] =	ssyncadd.s32 $0xFFFFC000  }
0xc6: {  	_ =	swait.ge [sflag:s24], $0x4000  }
0xc7: {  	[sflag:s24] =	ssyncset.done $0x0  }
0xc8: {  	s15 =	rddreg [dreg:$0xe];
	[sflag:s24] =	ssyncadd.s32 $0xFFFFC000  }
0xc9: {  	[hbm4b:s15+s6] =	stream.linear.scatter [tilespmem:s28], [sflag:$0x3], $0x4000, $0x38;
	[tilespmem:$0x19400] =	vst v63  }
0xca: {  	_ =	swait.ge [sflag:s25], $0x4000  }
0xcb: {  	[sflag:s25] =	ssyncset.done $0x0  }
0xcc: {  	[sflag:s25] =	ssyncadd.s32 $0xFFFFC000  }
0xcd: {  	[hbm4b:s16+s6] =	stream.linear.scatter [tilespmem:s29], [sflag:$0x4], $0x4000, $0x38;
	[tilespmem:$0x19400] =	vst v63  }
0xce: {  	_ =	swait.ge [sflag:s7], $0x4000  }
0xcf: {  	[sflag:s7] =	ssyncset.done $0x0  }
0xd0: {  	[sflag:s7] =	ssyncadd.s32 $0xFFFFC000  }
0xd1: {  	_ =	swait.ge [sflag:s8], $0x4000  }
0xd2: {  	[sflag:s8] =	ssyncset.done $0x0  }
0xd3: {  	[sflag:s8] =	ssyncadd.s32 $0xFFFFC000  }
0xd4: {  	_ =	swait.ge [sflag:s24], $0x4000  }
0xd5: {  	[sflag:s24] =	ssyncset.done $0x0  }
0xd6: {  	[sflag:s24] =	ssyncadd.s32 $0xFFFFC000  }
0xd7: {  	[hbm4b:s17+s6] =	stream.linear.scatter [tilespmem:s30], [sflag:$0x3], $0x4000, $0x38;
	[tilespmem:$0x19400] =	vst v63  }
0xd8: {  	_ =	swait.ge [sflag:s25], $0x4000  }
0xd9: {  	[sflag:s25] =	ssyncset.done $0x0  }
0xda: {  	s9 =	sadd.s32 $0x1, s9;
	[sflag:s25] =	ssyncadd.s32 $0xFFFFC000  }
0xdb: {  	[hbm4b:s18+s6] =	stream.linear.scatter [tilespmem:s3], [sflag:$0x4], $0x4000, $0x38;
	[tilespmem:$0x19400] =	vst v63  }
0xdc: {  	p0 =	sne.s32 s9, s19;
	_ =	swait.ge [sflag:s7], $0x4000  }
.Ltmp1:
0xdd: {  	[sflag:s7] =	ssyncset.done $0x0;
	(pc) =	sbr.rel @p0 .LBB2_1-.Ltmp1, $4  }
0xde: {  	[sflag:s7] =	ssyncadd.s32 $0xFFFFC000  }
0xdf: {  	_ =	swait.ge [sflag:s8], $0x4000  }
0xe0: {  	[sflag:s8] =	ssyncset.done $0x0  }
0xe1: {  	[sflag:s8] =	ssyncadd.s32 $0xFFFFC000  }
0xe2: {  	_ =	sfence.sel $0x180000  }
0xe3: {  	[bflag:$0x0] =	sbarrier.arrive $0xFFFF  }
0xe4: {  	_ =	strace $0x90000047  }
0xe5: {  	s0 =	stileid.u32;
	[bflag:$0x2] =	sbarrier.arrive $0xFFFF  }
0xe6: {  	p0 =	sne.s32 s0, $0x0;
	s0 =	rddreg [dreg:$0x5]  }
0xe7: {  	s0 =	sadd.s32 @!p0 $0x100000, s0  }
0xe8: {  	[sflag:s0] =	ssyncadd.tile.s32 @!p0 $0x1;
	_ =	shalt  }
.Lfunc_end2:
_tile_overlayer_lowered:
.L_overlay_start_2:
0xe9: {  	(tag) =	ssettag $0x2  }
0xea: {  	s0 =	rddreg [dreg:$0x0];
	s2 =	stileid.u32  }
0xeb: {  	s1 =	rddreg [dreg:$0x1];
	p0 =	sne.s32 s2, $0x0  }
0xec: {  	s3 =	rddreg [dreg:$0x2];
	[bflag:$0x3] =	sbarrier.arrive $0xFFFF;
	s2 =	simm.s32 @!p0 $0x1C05  }
0xed: {  	[timem:s3], [sflag:s2] =	dma.local @!p0 [hbm:s0], s1  }
0xee: {  	s0 =	simm.s32 @!p0 $0x5  }
0xef: {  	_ =	swait.ge @!p0 [sflag:s0], s1  }
0xf0: {  	s1 =	ssub.s32 @!p0 $0x0, s1;
	[sflag:s0] =	ssyncset.done @!p0 $0x0  }
0xf1: {  	[sflag:s0] =	ssyncadd.s32 @!p0 s1  }
0xf2: {  	[bflag:$0x3] =	sbarrier.arrive $0xFFFF  }
0xf3: {  	_ =	shalt  }

</sc_bundles>
